<compile_context>
chip_gen: v7x
topology: tpu7x:2x2x1
jax: 0.10.2.dev20260603
libtpu: 0.0.44.dev20260713+nightly
codegen_flags: <defaults>
</compile_context>

<pallas_src>
import functools

import jax
import jax.numpy as jnp
from jax import lax
from jax.experimental import pallas as pl
from jax.experimental.pallas import tpu as pltpu
from jax.experimental.pallas import tpu_sc as plsc

NACC = 10240
LCH = 128
NT = 32

_SC_PARAMS = pltpu.CompilerParams(needs_layout_passes=False)


def _make_deg_kernel(tc):
    mesh = plsc.VectorSubcoreMesh(core_axis_name="c", subcore_axis_name="s")

    @functools.partial(
        pl.kernel, mesh=mesh,
        out_type=jax.ShapeDtypeStruct((NT, 4, NACC), jnp.float32),
        compiler_params=_SC_PARAMS,
        scratch_types=[
            pltpu.VMEM((tc,), jnp.int32),
            pltpu.VMEM((tc,), jnp.int32),
            pltpu.VMEM((tc,), jnp.int32),
            pltpu.VMEM((tc,), jnp.int32),
            pltpu.VMEM((NACC,), jnp.float32),
            pltpu.VMEM((NACC,), jnp.float32),
            pltpu.VMEM((NACC,), jnp.float32),
            pltpu.VMEM((NACC,), jnp.float32),
            pltpu.SemaphoreType.DMA,
        ],
    )
    def deg_kernel(idx_hbm, out_hbm, i0, i1, i2, i3,
                   a0, a1, a2, a3, sem):
        cid = lax.axis_index("c")
        sid = lax.axis_index("s")
        wid = sid * 2 + cid
        accs = [a0, a1, a2, a3]
        idxs = [i0, i1, i2, i3]
        ones = jnp.ones((16,), jnp.float32)
        zero = jnp.zeros((16,), jnp.float32)

        def zb(j, c):
            for a in range(4):
                accs[a][pl.ds(j * 16, 16)] = zero
            return c
        lax.fori_loop(0, NACC // 16, zb, 0)
        descs = [pltpu.async_copy(idx_hbm.at[a, wid], idxs[a], sem)
                 for a in range(4)]
        for d in descs:
            d.wait()

        def sb(j, c):
            for u in range(2):
                for a in range(4):
                    v = idxs[a][pl.ds(j * 32 + u * 16, 16)]
                    plsc.addupdate_scatter(accs[a], [v], ones)
            return c
        lax.fori_loop(0, tc // 32, sb, 0)
        plsc.subcore_barrier()
        for a in range(4):
            pltpu.sync_copy(accs[a], out_hbm.at[wid, a])

    return deg_kernel


def _make_edge_kernel(tc):
    mesh = plsc.VectorSubcoreMesh(core_axis_name="c", subcore_axis_name="s")

    @functools.partial(
        pl.kernel, mesh=mesh,
        out_type=jax.ShapeDtypeStruct((NT, 2, NACC), jnp.float32),
        compiler_params=_SC_PARAMS,
        scratch_types=[
            pltpu.VMEM((tc,), jnp.int32),
            pltpu.VMEM((tc,), jnp.int32),
            pltpu.VMEM((tc,), jnp.int32),
            pltpu.VMEM((tc,), jnp.int32),
            pltpu.VMEM((NACC,), jnp.float32),
            pltpu.VMEM((NACC,), jnp.float32),
            pltpu.VMEM((NACC,), jnp.float32),
            pltpu.VMEM((NACC,), jnp.float32),
            pltpu.SemaphoreType.DMA,
        ],
    )
    def edge_kernel(q_hbm, idx_hbm, out_hbm, s0, s1, d0, d1,
                    q0, q1, a0, a1, sem):
        cid = lax.axis_index("c")
        sid = lax.axis_index("s")
        wid = sid * 2 + cid
        sidx = [s0, s1]
        didx = [d0, d1]
        qv = [q0, q1]
        accs = [a0, a1]
        zero = jnp.zeros((16,), jnp.float32)

        def zb(j, c):
            for s in range(2):
                accs[s][pl.ds(j * 16, 16)] = zero
            return c
        lax.fori_loop(0, NACC // 16, zb, 0)
        descs = []
        for s in range(2):
            descs.append(pltpu.async_copy(idx_hbm.at[2 * s, wid], sidx[s], sem))
            descs.append(pltpu.async_copy(idx_hbm.at[2 * s + 1, wid], didx[s], sem))
            descs.append(pltpu.async_copy(q_hbm.at[s], qv[s], sem))
        for d in descs:
            d.wait()

        def eb(j, c):
            for u in range(2):
                for s in range(2):
                    sv = sidx[s][pl.ds(j * 32 + u * 16, 16)]
                    vals = plsc.load_gather(qv[s], [sv])
                    dv = didx[s][pl.ds(j * 32 + u * 16, 16)]
                    plsc.addupdate_scatter(accs[s], [dv], vals)
            return c
        lax.fori_loop(0, tc // 32, eb, 0)
        plsc.subcore_barrier()
        for s in range(2):
            pltpu.sync_copy(accs[s], out_hbm.at[wid, s])

    return edge_kernel


def _mv_kernel(dx_ref, px_ref, wdp_ref, w1_ref, wpd_ref, w2_ref, s_ref):
    u1 = jnp.dot(wdp_ref[...], w1_ref[...], preferred_element_type=jnp.float32)
    u2 = jnp.dot(wpd_ref[...], w2_ref[...], preferred_element_type=jnp.float32)
    s_ref[0, :] = jnp.dot(dx_ref[...], u1, preferred_element_type=jnp.float32)[:, 0]
    s_ref[1, :] = jnp.dot(px_ref[...], u2, preferred_element_type=jnp.float32)[:, 0]


def _q_kernel(s_ref, deg_ref, q_ref):
    deg = jnp.sum(deg_ref[...], axis=0)
    r = lax.rsqrt(jnp.maximum(deg, 1.0))
    q_ref[0, :] = s_ref[0] * r[0]
    q_ref[1, :] = s_ref[1] * r[2]
    q_ref[2, :] = r[1]
    q_ref[3, :] = r[3]


def _fin_kernel(t_ref, q_ref, bdp_ref, bpd_ref, w1_ref, w2_ref, bl_ref, o_ref):
    c1 = (jnp.sum(bdp_ref[...] * w1_ref[...])
          + jnp.sum(bpd_ref[...] * w2_ref[...]) + bl_ref[0, 0])
    t = jnp.sum(t_ref[...], axis=0)
    z = t[0] * q_ref[2, :] + t[1] * q_ref[3, :] + c1
    o_ref[...] = 1.0 / (1.0 + jnp.exp(-z))


def kernel(drug_x, protein_x, edge_index, rev_edge_index, W_drug_lin,
           b_drug_lin, W_protein_lin, b_protein_lin, conv_W_dp, conv_b_dp,
           conv_W_pd, conv_b_pd, W_link, b_link):
    n = drug_x.shape[0]
    d_h = conv_W_dp.shape[2]
    e = edge_index.shape[1]
    tc = -(-e // (NT * LCH)) * LCH
    epad = NT * tc

    w1 = W_link[:d_h]
    w2 = W_link[d_h:]
    wdp = conv_W_dp[-1]
    wpd = conv_W_pd[-1]
    def prep(v):
        pad = jnp.full((epad - e,), n, jnp.int32)
        return jnp.concatenate([v.astype(jnp.int32), pad]).reshape(NT, tc)

    idx_all = jnp.stack([prep(edge_index[0]), prep(edge_index[1]),
                         prep(rev_edge_index[0]), prep(rev_edge_index[1])])

    deg_part = _make_deg_kernel(tc)(idx_all)

    blk = 1024
    nb = NACC // blk
    s = pl.pallas_call(
        _mv_kernel,
        grid=(nb,),
        in_specs=[
            pl.BlockSpec((blk, drug_x.shape[1]), lambda i: (i, 0)),
            pl.BlockSpec((blk, protein_x.shape[1]), lambda i: (i, 0)),
            pl.BlockSpec(wdp.shape, lambda i: (0, 0)),
            pl.BlockSpec(w1.shape, lambda i: (0, 0)),
            pl.BlockSpec(wpd.shape, lambda i: (0, 0)),
            pl.BlockSpec(w2.shape, lambda i: (0, 0)),
        ],
        out_specs=pl.BlockSpec((2, blk), lambda i: (0, i)),
        out_shape=jax.ShapeDtypeStruct((2, NACC), jnp.float32),
    )(drug_x, protein_x, wdp, w1, wpd, w2)

    q = pl.pallas_call(
        _q_kernel,
        grid=(nb,),
        in_specs=[
            pl.BlockSpec((2, blk), lambda i: (0, i)),
            pl.BlockSpec((NT, 4, blk), lambda i: (0, 0, i)),
        ],
        out_specs=pl.BlockSpec((4, blk), lambda i: (0, i)),
        out_shape=jax.ShapeDtypeStruct((4, NACC), jnp.float32),
    )(s, deg_part)

    t_part = _make_edge_kernel(tc)(q[:2], idx_all)

    out_full = pl.pallas_call(
        _fin_kernel,
        out_shape=jax.ShapeDtypeStruct((NACC,), jnp.float32),
    )(t_part, q,
      conv_b_dp[-1].reshape(2, d_h // 2), conv_b_pd[-1].reshape(2, d_h // 2),
      w1.reshape(2, d_h // 2), w2.reshape(2, d_h // 2),
      b_link.reshape(1, 1))

    return out_full[:n].reshape(n, 1)

# --- scband reference (transcript-rebuilt; emitter-appended) ---
"""Pipeline reference for scband-hgn-72069551227211 (READ-ONLY COPY).

The authoritative reference and input builder live on the scoring server;
editing this copy changes nothing except your own understanding.
"""

import jax, jax.numpy as jnp
import numpy as np

N_DRUG = 10000
N_PROT = 10000
D_IN = 256
D_H = 256
E = 160000
L = 2


def _gcn(x_src, ei, W, b, n_dst):
    src, dst = ei[0], ei[1]
    n_src = x_src.shape[0]
    deg_s = jnp.maximum(jnp.bincount(src, length=n_src).astype(jnp.float32), 1.0)
    deg_d = jnp.maximum(jnp.bincount(dst, length=n_dst).astype(jnp.float32), 1.0)
    norm = jax.lax.rsqrt(deg_s)[src] * jax.lax.rsqrt(deg_d)[dst]
    h = x_src @ W
    msg = h[src] * norm[:, None]
    out = jax.ops.segment_sum(msg, dst, num_segments=n_dst)
    return out + b


def setup_inputs(seed: int = 0) -> dict:
    key = jax.random.key(seed)
    ks = jax.random.split(key, 20)
    inp = {}
    inp["drug_x"] = jax.random.normal(ks[0], (N_DRUG, D_IN), dtype=jnp.float32)
    inp["protein_x"] = jax.random.normal(ks[1], (N_PROT, D_IN), dtype=jnp.float32)
    inp["edge_index"] = jax.random.randint(ks[2], (2, E), 0, N_DRUG, dtype=jnp.int32)
    inp["rev_edge_index"] = jax.random.randint(ks[3], (2, E), 0, N_PROT, dtype=jnp.int32)
    s_in = 1.0 / np.sqrt(D_IN)
    s_link = 1.0 / np.sqrt(2 * D_H)
    inp["W_drug_lin"] = jax.random.uniform(ks[4], (D_IN, D_H), minval=-s_in, maxval=s_in, dtype=jnp.float32)
    inp["b_drug_lin"] = jax.random.uniform(ks[5], (D_H,), minval=-s_in, maxval=s_in, dtype=jnp.float32)
    inp["W_protein_lin"] = jax.random.uniform(ks[6], (D_IN, D_H), minval=-s_in, maxval=s_in, dtype=jnp.float32)
    inp["b_protein_lin"] = jax.random.uniform(ks[7], (D_H,), minval=-s_in, maxval=s_in, dtype=jnp.float32)
    inp["conv_W_dp"] = jax.random.uniform(ks[8], (L, D_IN, D_H), minval=-s_in, maxval=s_in, dtype=jnp.float32)
    inp["conv_b_dp"] = jnp.zeros((L, D_H), dtype=jnp.float32)
    inp["conv_W_pd"] = jax.random.uniform(ks[9], (L, D_IN, D_H), minval=-s_in, maxval=s_in, dtype=jnp.float32)
    inp["conv_b_pd"] = jnp.zeros((L, D_H), dtype=jnp.float32)
    inp["W_link"] = jax.random.uniform(ks[10], (2 * D_H, 1), minval=-s_link, maxval=s_link, dtype=jnp.float32)
    inp["b_link"] = jax.random.uniform(ks[11], (1,), minval=-s_link, maxval=s_link, dtype=jnp.float32)
    return inp


def reference(drug_x, protein_x, edge_index, rev_edge_index, W_drug_lin, b_drug_lin, W_protein_lin, b_protein_lin, conv_W_dp, conv_b_dp, conv_W_pd, conv_b_pd, W_link, b_link):
    # input projections (computed but overwritten by conv outputs, as in the torch code)
    _drug_h = drug_x @ W_drug_lin + b_drug_lin
    _protein_h = protein_x @ W_protein_lin + b_protein_lin
    drug_out = _drug_h
    protein_out = _protein_h
    for l in range(L):
        # ('drug','interaction','protein') conv: messages drug -> protein nodes
        drug_out = _gcn(drug_x, edge_index, conv_W_dp[l], conv_b_dp[l], N_PROT)
        # ('protein','rev_interaction','drug') conv: messages protein -> drug nodes
        protein_out = _gcn(protein_x, rev_edge_index, conv_W_pd[l], conv_b_pd[l], N_DRUG)
    link_input = jnp.concatenate([drug_out, protein_out], axis=1)
    link_prediction = jax.nn.sigmoid(link_input @ W_link + b_link)
    return link_prediction

if __name__ == "__main__":
    import jax
    _d = setup_inputs()
    print(jax.jit(kernel)(*tuple(_d.values())))

</pallas_src>

<mosaic_0001>
#map = affine_map<(d0, d1) -> (0, 0, 0)>
module attributes {stable_mosaic.version = 14 : i64} {
  func.func @deg_kernel(%arg0: i32, %arg1: i32, %arg2: memref<4x32x5120xi32, #tpu.memory_space<hbm>>, %arg3: memref<32x4x10240xf32, #tpu.memory_space<hbm>>, %arg4: memref<5120xi32, #tpu.memory_space<vmem>>, %arg5: memref<5120xi32, #tpu.memory_space<vmem>>, %arg6: memref<5120xi32, #tpu.memory_space<vmem>>, %arg7: memref<5120xi32, #tpu.memory_space<vmem>>, %arg8: memref<10240xf32, #tpu.memory_space<vmem>>, %arg9: memref<10240xf32, #tpu.memory_space<vmem>>, %arg10: memref<10240xf32, #tpu.memory_space<vmem>>, %arg11: memref<10240xf32, #tpu.memory_space<vmem>>, %arg12: memref<!tpu.dma_semaphore, #tpu.memory_space<semaphore_mem>>) attributes {dimension_semantics = [#tpu.dimension_semantics<core_parallel>, #tpu.dimension_semantics<subcore_parallel>], iteration_bounds = array<i64: 2, 16>, scalar_prefetch = 0 : i64, scratch_operands = 9 : i64, tpu.core_type = #tpu.core_type<sc_vector_subcore>, window_params = [{transform_indices = #map}, {transform_indices = #map}]} {
    %mul3A = arith.constant 2 : i32
    %mul3A_0 = arith.muli %arg1, %mul3A : i32
    %add3A = arith.addi %mul3A_0, %arg0 : i32
    %broadcast_in_dim3A = arith.constant 1.000000e+00 : f32
    %broadcast_in_dim3A_1 = vector.broadcast %broadcast_in_dim3A : f32 to vector<16xf32>
    %broadcast_in_dim3A_2 = arith.constant 0.000000e+00 : f32
    %broadcast_in_dim3A_3 = vector.broadcast %broadcast_in_dim3A_2 : f32 to vector<16xf32>
    %scan3A = arith.constant 0 : i32
    %scan3A_4 = arith.constant 0 : i32
    %scan3A_5 = arith.constant 640 : i32
    %scan3A_6 = arith.addi %scan3A_4, %scan3A_5 : i32
    %scan3A_7 = arith.constant 1 : i32
    scf.for %scan3A_72 = %scan3A_4 to %scan3A_6 step %scan3A_7  : i32 {
      %mul3A_73 = arith.constant 16 : i32
      %mul3A_74 = arith.muli %scan3A_72, %mul3A_73 : i32
      %swap3A = arith.index_cast %mul3A_74 : i32 to index
      %swap3A_75 = tpu.vector_load %arg8[%swap3A] {strides = array<i32>} : memref<10240xf32, #tpu.memory_space<vmem>>, vector<16xf32>,
      tpu.vector_store %arg8[%swap3A], %broadcast_in_dim3A_3 {strides = array<i32>} : memref<10240xf32, #tpu.memory_space<vmem>>, vector<16xf32>,
      %mul3A_76 = arith.constant 16 : i32
      %mul3A_77 = arith.muli %scan3A_72, %mul3A_76 : i32
      %swap3A_78 = arith.index_cast %mul3A_77 : i32 to index
      %swap3A_79 = tpu.vector_load %arg9[%swap3A_78] {strides = array<i32>} : memref<10240xf32, #tpu.memory_space<vmem>>, vector<16xf32>,
      tpu.vector_store %arg9[%swap3A_78], %broadcast_in_dim3A_3 {strides = array<i32>} : memref<10240xf32, #tpu.memory_space<vmem>>, vector<16xf32>,
      %mul3A_80 = arith.constant 16 : i32
      %mul3A_81 = arith.muli %scan3A_72, %mul3A_80 : i32
      %swap3A_82 = arith.index_cast %mul3A_81 : i32 to index
      %swap3A_83 = tpu.vector_load %arg10[%swap3A_82] {strides = array<i32>} : memref<10240xf32, #tpu.memory_space<vmem>>, vector<16xf32>,
      tpu.vector_store %arg10[%swap3A_82], %broadcast_in_dim3A_3 {strides = array<i32>} : memref<10240xf32, #tpu.memory_space<vmem>>, vector<16xf32>,
      %mul3A_84 = arith.constant 16 : i32
      %mul3A_85 = arith.muli %scan3A_72, %mul3A_84 : i32
      %swap3A_86 = arith.index_cast %mul3A_85 : i32 to index
      %swap3A_87 = tpu.vector_load %arg11[%swap3A_86] {strides = array<i32>} : memref<10240xf32, #tpu.memory_space<vmem>>, vector<16xf32>,
      tpu.vector_store %arg11[%swap3A_86], %broadcast_in_dim3A_3 {strides = array<i32>} : memref<10240xf32, #tpu.memory_space<vmem>>, vector<16xf32>,
    }
    %scan3A_8 = arith.constant 640 : i32
    %dma_start3A = arith.constant 0 : i32
    %dma_start3A_9 = arith.constant 0 : i32
    %dma_start3A_10 = tpu.memref_slice %arg2[%dma_start3A, %add3A, %dma_start3A_9] : memref<4x32x5120xi32, #tpu.memory_space<hbm>> -> memref<1x1x5120xi32, #tpu.memory_space<hbm>>
    %dma_start3A_11 = tpu.memref_squeeze %dma_start3A_10 : memref<1x1x5120xi32, #tpu.memory_space<hbm>> -> memref<5120xi32, #tpu.memory_space<hbm>>
    %dma_start3A_12 = arith.constant 0 : i32
    %dma_start3A_13 = tpu.memref_slice %arg2[%dma_start3A, %add3A, %dma_start3A_12] : memref<4x32x5120xi32, #tpu.memory_space<hbm>> -> memref<1x1x5120xi32, #tpu.memory_space<hbm>>
    %dma_start3A_14 = tpu.memref_squeeze %dma_start3A_13 : memref<1x1x5120xi32, #tpu.memory_space<hbm>> -> memref<5120xi32, #tpu.memory_space<hbm>>
    tpu.enqueue_dma source(%dma_start3A_14 : memref<5120xi32, #tpu.memory_space<hbm>>) target(%arg4 : memref<5120xi32, #tpu.memory_space<vmem>>) target_semaphore(%arg12 : memref<!tpu.dma_semaphore, #tpu.memory_space<semaphore_mem>>)
    %dma_start3A_15 = arith.constant 1 : i32
    %dma_start3A_16 = arith.constant 0 : i32
    %dma_start3A_17 = tpu.memref_slice %arg2[%dma_start3A_15, %add3A, %dma_start3A_16] : memref<4x32x5120xi32, #tpu.memory_space<hbm>> -> memref<1x1x5120xi32, #tpu.memory_space<hbm>>
    %dma_start3A_18 = tpu.memref_squeeze %dma_start3A_17 : memref<1x1x5120xi32, #tpu.memory_space<hbm>> -> memref<5120xi32, #tpu.memory_space<hbm>>
    %dma_start3A_19 = arith.constant 0 : i32
    %dma_start3A_20 = tpu.memref_slice %arg2[%dma_start3A_15, %add3A, %dma_start3A_19] : memref<4x32x5120xi32, #tpu.memory_space<hbm>> -> memref<1x1x5120xi32, #tpu.memory_space<hbm>>
    %dma_start3A_21 = tpu.memref_squeeze %dma_start3A_20 : memref<1x1x5120xi32, #tpu.memory_space<hbm>> -> memref<5120xi32, #tpu.memory_space<hbm>>
    tpu.enqueue_dma source(%dma_start3A_21 : memref<5120xi32, #tpu.memory_space<hbm>>) target(%arg5 : memref<5120xi32, #tpu.memory_space<vmem>>) target_semaphore(%arg12 : memref<!tpu.dma_semaphore, #tpu.memory_space<semaphore_mem>>)
    %dma_start3A_22 = arith.constant 2 : i32
    %dma_start3A_23 = arith.constant 0 : i32
    %dma_start3A_24 = tpu.memref_slice %arg2[%dma_start3A_22, %add3A, %dma_start3A_23] : memref<4x32x5120xi32, #tpu.memory_space<hbm>> -> memref<1x1x5120xi32, #tpu.memory_space<hbm>>
    %dma_start3A_25 = tpu.memref_squeeze %dma_start3A_24 : memref<1x1x5120xi32, #tpu.memory_space<hbm>> -> memref<5120xi32, #tpu.memory_space<hbm>>
    %dma_start3A_26 = arith.constant 0 : i32
    %dma_start3A_27 = tpu.memref_slice %arg2[%dma_start3A_22, %add3A, %dma_start3A_26] : memref<4x32x5120xi32, #tpu.memory_space<hbm>> -> memref<1x1x5120xi32, #tpu.memory_space<hbm>>
    %dma_start3A_28 = tpu.memref_squeeze %dma_start3A_27 : memref<1x1x5120xi32, #tpu.memory_space<hbm>> -> memref<5120xi32, #tpu.memory_space<hbm>>
    tpu.enqueue_dma source(%dma_start3A_28 : memref<5120xi32, #tpu.memory_space<hbm>>) target(%arg6 : memref<5120xi32, #tpu.memory_space<vmem>>) target_semaphore(%arg12 : memref<!tpu.dma_semaphore, #tpu.memory_space<semaphore_mem>>)
    %dma_start3A_29 = arith.constant 3 : i32
    %dma_start3A_30 = arith.constant 0 : i32
    %dma_start3A_31 = tpu.memref_slice %arg2[%dma_start3A_29, %add3A, %dma_start3A_30] : memref<4x32x5120xi32, #tpu.memory_space<hbm>> -> memref<1x1x5120xi32, #tpu.memory_space<hbm>>
    %dma_start3A_32 = tpu.memref_squeeze %dma_start3A_31 : memref<1x1x5120xi32, #tpu.memory_space<hbm>> -> memref<5120xi32, #tpu.memory_space<hbm>>
    %dma_start3A_33 = arith.constant 0 : i32
    %dma_start3A_34 = tpu.memref_slice %arg2[%dma_start3A_29, %add3A, %dma_start3A_33] : memref<4x32x5120xi32, #tpu.memory_space<hbm>> -> memref<1x1x5120xi32, #tpu.memory_space<hbm>>
    %dma_start3A_35 = tpu.memref_squeeze %dma_start3A_34 : memref<1x1x5120xi32, #tpu.memory_space<hbm>> -> memref<5120xi32, #tpu.memory_space<hbm>>
    tpu.enqueue_dma source(%dma_start3A_35 : memref<5120xi32, #tpu.memory_space<hbm>>) target(%arg7 : memref<5120xi32, #tpu.memory_space<vmem>>) target_semaphore(%arg12 : memref<!tpu.dma_semaphore, #tpu.memory_space<semaphore_mem>>)
    %dma_wait3A = arith.constant 0 : i32
    %dma_wait3A_36 = arith.constant 0 : i32
    %dma_wait3A_37 = tpu.memref_slice %arg2[%dma_wait3A, %add3A, %dma_wait3A_36] : memref<4x32x5120xi32, #tpu.memory_space<hbm>> -> memref<1x1x5120xi32, #tpu.memory_space<hbm>>
    %dma_wait3A_38 = tpu.memref_squeeze %dma_wait3A_37 : memref<1x1x5120xi32, #tpu.memory_space<hbm>> -> memref<5120xi32, #tpu.memory_space<hbm>>
    %dma_wait3A_39 = arith.constant 0 : i32
    %dma_wait3A_40 = tpu.memref_slice %arg2[%dma_wait3A, %add3A, %dma_wait3A_39] : memref<4x32x5120xi32, #tpu.memory_space<hbm>> -> memref<1x1x5120xi32, #tpu.memory_space<hbm>>
    %dma_wait3A_41 = tpu.memref_squeeze %dma_wait3A_40 : memref<1x1x5120xi32, #tpu.memory_space<hbm>> -> memref<5120xi32, #tpu.memory_space<hbm>>
    tpu.wait_dma2 semaphore(%arg12 : memref<!tpu.dma_semaphore, #tpu.memory_space<semaphore_mem>>) src(%dma_wait3A_41 : memref<5120xi32, #tpu.memory_space<hbm>>) dst(%arg4 : memref<5120xi32, #tpu.memory_space<vmem>>)
    %dma_wait3A_42 = arith.constant 1 : i32
    %dma_wait3A_43 = arith.constant 0 : i32
    %dma_wait3A_44 = tpu.memref_slice %arg2[%dma_wait3A_42, %add3A, %dma_wait3A_43] : memref<4x32x5120xi32, #tpu.memory_space<hbm>> -> memref<1x1x5120xi32, #tpu.memory_space<hbm>>
    %dma_wait3A_45 = tpu.memref_squeeze %dma_wait3A_44 : memref<1x1x5120xi32, #tpu.memory_space<hbm>> -> memref<5120xi32, #tpu.memory_space<hbm>>
    %dma_wait3A_46 = arith.constant 0 : i32
    %dma_wait3A_47 = tpu.memref_slice %arg2[%dma_wait3A_42, %add3A, %dma_wait3A_46] : memref<4x32x5120xi32, #tpu.memory_space<hbm>> -> memref<1x1x5120xi32, #tpu.memory_space<hbm>>
    %dma_wait3A_48 = tpu.memref_squeeze %dma_wait3A_47 : memref<1x1x5120xi32, #tpu.memory_space<hbm>> -> memref<5120xi32, #tpu.memory_space<hbm>>
    tpu.wait_dma2 semaphore(%arg12 : memref<!tpu.dma_semaphore, #tpu.memory_space<semaphore_mem>>) src(%dma_wait3A_48 : memref<5120xi32, #tpu.memory_space<hbm>>) dst(%arg5 : memref<5120xi32, #tpu.memory_space<vmem>>)
    %dma_wait3A_49 = arith.constant 2 : i32
    %dma_wait3A_50 = arith.constant 0 : i32
    %dma_wait3A_51 = tpu.memref_slice %arg2[%dma_wait3A_49, %add3A, %dma_wait3A_50] : memref<4x32x5120xi32, #tpu.memory_space<hbm>> -> memref<1x1x5120xi32, #tpu.memory_space<hbm>>
    %dma_wait3A_52 = tpu.memref_squeeze %dma_wait3A_51 : memref<1x1x5120xi32, #tpu.memory_space<hbm>> -> memref<5120xi32, #tpu.memory_space<hbm>>
    %dma_wait3A_53 = arith.constant 0 : i32
    %dma_wait3A_54 = tpu.memref_slice %arg2[%dma_wait3A_49, %add3A, %dma_wait3A_53] : memref<4x32x5120xi32, #tpu.memory_space<hbm>> -> memref<1x1x5120xi32, #tpu.memory_space<hbm>>
    %dma_wait3A_55 = tpu.memref_squeeze %dma_wait3A_54 : memref<1x1x5120xi32, #tpu.memory_space<hbm>> -> memref<5120xi32, #tpu.memory_space<hbm>>
    tpu.wait_dma2 semaphore(%arg12 : memref<!tpu.dma_semaphore, #tpu.memory_space<semaphore_mem>>) src(%dma_wait3A_55 : memref<5120xi32, #tpu.memory_space<hbm>>) dst(%arg6 : memref<5120xi32, #tpu.memory_space<vmem>>)
    %dma_wait3A_56 = arith.constant 3 : i32
    %dma_wait3A_57 = arith.constant 0 : i32
    %dma_wait3A_58 = tpu.memref_slice %arg2[%dma_wait3A_56, %add3A, %dma_wait3A_57] : memref<4x32x5120xi32, #tpu.memory_space<hbm>> -> memref<1x1x5120xi32, #tpu.memory_space<hbm>>
    %dma_wait3A_59 = tpu.memref_squeeze %dma_wait3A_58 : memref<1x1x5120xi32, #tpu.memory_space<hbm>> -> memref<5120xi32, #tpu.memory_space<hbm>>
    %dma_wait3A_60 = arith.constant 0 : i32
    %dma_wait3A_61 = tpu.memref_slice %arg2[%dma_wait3A_56, %add3A, %dma_wait3A_60] : memref<4x32x5120xi32, #tpu.memory_space<hbm>> -> memref<1x1x5120xi32, #tpu.memory_space<hbm>>
    %dma_wait3A_62 = tpu.memref_squeeze %dma_wait3A_61 : memref<1x1x5120xi32, #tpu.memory_space<hbm>> -> memref<5120xi32, #tpu.memory_space<hbm>>
    tpu.wait_dma2 semaphore(%arg12 : memref<!tpu.dma_semaphore, #tpu.memory_space<semaphore_mem>>) src(%dma_wait3A_62 : memref<5120xi32, #tpu.memory_space<hbm>>) dst(%arg7 : memref<5120xi32, #tpu.memory_space<vmem>>)
    %scan3A_63 = arith.constant 0 : i32
    %scan3A_64 = arith.constant 0 : i32
    %scan3A_65 = arith.constant 160 : i32
    %scan3A_66 = arith.addi %scan3A_64, %scan3A_65 : i32
    %scan3A_67 = arith.constant 1 : i32
    scf.for %scan3A_72 = %scan3A_64 to %scan3A_66 step %scan3A_67  : i32 {
      %mul3A_73 = arith.constant 32 : i32
      %mul3A_74 = arith.muli %scan3A_72, %mul3A_73 : i32
      %add3A_75 = arith.constant 0 : i32
      %add3A_76 = arith.addi %mul3A_74, %add3A_75 : i32
      %get3A = arith.index_cast %add3A_76 : i32 to index
      %get3A_77 = tpu.vector_load %arg4[%get3A] {strides = array<i32>} : memref<5120xi32, #tpu.memory_space<vmem>>, vector<16xi32>,
      tpu.vector_store_idx %arg8[%get3A_77], %broadcast_in_dim3A_1 {add = true} : memref<10240xf32, #tpu.memory_space<vmem>>[vector<16xi32>], vector<16xf32>,
      %mul3A_78 = arith.constant 32 : i32
      %mul3A_79 = arith.muli %scan3A_72, %mul3A_78 : i32
      %add3A_80 = arith.constant 0 : i32
      %add3A_81 = arith.addi %mul3A_79, %add3A_80 : i32
      %get3A_82 = arith.index_cast %add3A_81 : i32 to index
      %get3A_83 = tpu.vector_load %arg5[%get3A_82] {strides = array<i32>} : memref<5120xi32, #tpu.memory_space<vmem>>, vector<16xi32>,
      tpu.vector_store_idx %arg9[%get3A_83], %broadcast_in_dim3A_1 {add = true} : memref<10240xf32, #tpu.memory_space<vmem>>[vector<16xi32>], vector<16xf32>,
      %mul3A_84 = arith.constant 32 : i32
      %mul3A_85 = arith.muli %scan3A_72, %mul3A_84 : i32
      %add3A_86 = arith.constant 0 : i32
      %add3A_87 = arith.addi %mul3A_85, %add3A_86 : i32
      %get3A_88 = arith.index_cast %add3A_87 : i32 to index
      %get3A_89 = tpu.vector_load %arg6[%get3A_88] {strides = array<i32>} : memref<5120xi32, #tpu.memory_space<vmem>>, vector<16xi32>,
      tpu.vector_store_idx %arg10[%get3A_89], %broadcast_in_dim3A_1 {add = true} : memref<10240xf32, #tpu.memory_space<vmem>>[vector<16xi32>], vector<16xf32>,
      %mul3A_90 = arith.constant 32 : i32
      %mul3A_91 = arith.muli %scan3A_72, %mul3A_90 : i32
      %add3A_92 = arith.constant 0 : i32
      %add3A_93 = arith.addi %mul3A_91, %add3A_92 : i32
      %get3A_94 = arith.index_cast %add3A_93 : i32 to index
      %get3A_95 = tpu.vector_load %arg7[%get3A_94] {strides = array<i32>} : memref<5120xi32, #tpu.memory_space<vmem>>, vector<16xi32>,
      tpu.vector_store_idx %arg11[%get3A_95], %broadcast_in_dim3A_1 {add = true} : memref<10240xf32, #tpu.memory_space<vmem>>[vector<16xi32>], vector<16xf32>,
      %mul3A_96 = arith.constant 32 : i32
      %mul3A_97 = arith.muli %scan3A_72, %mul3A_96 : i32
      %add3A_98 = arith.constant 16 : i32
      %add3A_99 = arith.addi %mul3A_97, %add3A_98 : i32
      %get3A_100 = arith.index_cast %add3A_99 : i32 to index
      %get3A_101 = tpu.vector_load %arg4[%get3A_100] {strides = array<i32>} : memref<5120xi32, #tpu.memory_space<vmem>>, vector<16xi32>,
      tpu.vector_store_idx %arg8[%get3A_101], %broadcast_in_dim3A_1 {add = true} : memref<10240xf32, #tpu.memory_space<vmem>>[vector<16xi32>], vector<16xf32>,
      %mul3A_102 = arith.constant 32 : i32
      %mul3A_103 = arith.muli %scan3A_72, %mul3A_102 : i32
      %add3A_104 = arith.constant 16 : i32
      %add3A_105 = arith.addi %mul3A_103, %add3A_104 : i32
      %get3A_106 = arith.index_cast %add3A_105 : i32 to index
      %get3A_107 = tpu.vector_load %arg5[%get3A_106] {strides = array<i32>} : memref<5120xi32, #tpu.memory_space<vmem>>, vector<16xi32>,
      tpu.vector_store_idx %arg9[%get3A_107], %broadcast_in_dim3A_1 {add = true} : memref<10240xf32, #tpu.memory_space<vmem>>[vector<16xi32>], vector<16xf32>,
      %mul3A_108 = arith.constant 32 : i32
      %mul3A_109 = arith.muli %scan3A_72, %mul3A_108 : i32
      %add3A_110 = arith.constant 16 : i32
      %add3A_111 = arith.addi %mul3A_109, %add3A_110 : i32
      %get3A_112 = arith.index_cast %add3A_111 : i32 to index
      %get3A_113 = tpu.vector_load %arg6[%get3A_112] {strides = array<i32>} : memref<5120xi32, #tpu.memory_space<vmem>>, vector<16xi32>,
      tpu.vector_store_idx %arg10[%get3A_113], %broadcast_in_dim3A_1 {add = true} : memref<10240xf32, #tpu.memory_space<vmem>>[vector<16xi32>], vector<16xf32>,
      %mul3A_114 = arith.constant 32 : i32
      %mul3A_115 = arith.muli %scan3A_72, %mul3A_114 : i32
      %add3A_116 = arith.constant 16 : i32
      %add3A_117 = arith.addi %mul3A_115, %add3A_116 : i32
      %get3A_118 = arith.index_cast %add3A_117 : i32 to index
      %get3A_119 = tpu.vector_load %arg7[%get3A_118] {strides = array<i32>} : memref<5120xi32, #tpu.memory_space<vmem>>, vector<16xi32>,
      tpu.vector_store_idx %arg11[%get3A_119], %broadcast_in_dim3A_1 {add = true} : memref<10240xf32, #tpu.memory_space<vmem>>[vector<16xi32>], vector<16xf32>,
    }
    %scan3A_68 = arith.constant 160 : i32
    %barrier3A = arith.constant 0 : index
    tpu.barrier barrier_id(%barrier3A)
    %run_scoped3A = arith.constant 0 : i32
    "tpu.region"() ({
      %run_scoped3A_72 = tpu.sem_alloc : memref<!tpu.dma_semaphore, #tpu.memory_space<semaphore_mem>>
      %dma_start3A_73 = arith.constant 0 : i32
      %dma_start3A_74 = tpu.memref_slice %arg3[%add3A, %run_scoped3A, %dma_start3A_73] : memref<32x4x10240xf32, #tpu.memory_space<hbm>> -> memref<1x1x10240xf32, #tpu.memory_space<hbm>>
      %dma_start3A_75 = tpu.memref_squeeze %dma_start3A_74 : memref<1x1x10240xf32, #tpu.memory_space<hbm>> -> memref<10240xf32, #tpu.memory_space<hbm>>
      %dma_start3A_76 = arith.constant 0 : i32
      %dma_start3A_77 = tpu.memref_slice %arg3[%add3A, %run_scoped3A, %dma_start3A_76] : memref<32x4x10240xf32, #tpu.memory_space<hbm>> -> memref<1x1x10240xf32, #tpu.memory_space<hbm>>
      %dma_start3A_78 = tpu.memref_squeeze %dma_start3A_77 : memref<1x1x10240xf32, #tpu.memory_space<hbm>> -> memref<10240xf32, #tpu.memory_space<hbm>>
      tpu.enqueue_dma source(%arg8 : memref<10240xf32, #tpu.memory_space<vmem>>) target(%dma_start3A_78 : memref<10240xf32, #tpu.memory_space<hbm>>) target_semaphore(%run_scoped3A_72 : memref<!tpu.dma_semaphore, #tpu.memory_space<semaphore_mem>>)
      %dma_wait3A_79 = arith.constant 0 : i32
      %dma_wait3A_80 = tpu.memref_slice %arg3[%add3A, %run_scoped3A, %dma_wait3A_79] : memref<32x4x10240xf32, #tpu.memory_space<hbm>> -> memref<1x1x10240xf32, #tpu.memory_space<hbm>>
      %dma_wait3A_81 = tpu.memref_squeeze %dma_wait3A_80 : memref<1x1x10240xf32, #tpu.memory_space<hbm>> -> memref<10240xf32, #tpu.memory_space<hbm>>
      %dma_wait3A_82 = arith.constant 0 : i32
      %dma_wait3A_83 = tpu.memref_slice %arg3[%add3A, %run_scoped3A, %dma_wait3A_82] : memref<32x4x10240xf32, #tpu.memory_space<hbm>> -> memref<1x1x10240xf32, #tpu.memory_space<hbm>>
      %dma_wait3A_84 = tpu.memref_squeeze %dma_wait3A_83 : memref<1x1x10240xf32, #tpu.memory_space<hbm>> -> memref<10240xf32, #tpu.memory_space<hbm>>
      tpu.wait_dma2 semaphore(%run_scoped3A_72 : memref<!tpu.dma_semaphore, #tpu.memory_space<semaphore_mem>>) src(%arg8 : memref<10240xf32, #tpu.memory_space<vmem>>) dst(%dma_wait3A_84 : memref<10240xf32, #tpu.memory_space<hbm>>)
      tpu.yield
    }) : () -> ()
    %run_scoped3A_69 = arith.constant 1 : i32
    "tpu.region"() ({
      %run_scoped3A_72 = tpu.sem_alloc : memref<!tpu.dma_semaphore, #tpu.memory_space<semaphore_mem>>
      %dma_start3A_73 = arith.constant 0 : i32
      %dma_start3A_74 = tpu.memref_slice %arg3[%add3A, %run_scoped3A_69, %dma_start3A_73] : memref<32x4x10240xf32, #tpu.memory_space<hbm>> -> memref<1x1x10240xf32, #tpu.memory_space<hbm>>
      %dma_start3A_75 = tpu.memref_squeeze %dma_start3A_74 : memref<1x1x10240xf32, #tpu.memory_space<hbm>> -> memref<10240xf32, #tpu.memory_space<hbm>>
      %dma_start3A_76 = arith.constant 0 : i32
      %dma_start3A_77 = tpu.memref_slice %arg3[%add3A, %run_scoped3A_69, %dma_start3A_76] : memref<32x4x10240xf32, #tpu.memory_space<hbm>> -> memref<1x1x10240xf32, #tpu.memory_space<hbm>>
      %dma_start3A_78 = tpu.memref_squeeze %dma_start3A_77 : memref<1x1x10240xf32, #tpu.memory_space<hbm>> -> memref<10240xf32, #tpu.memory_space<hbm>>
      tpu.enqueue_dma source(%arg9 : memref<10240xf32, #tpu.memory_space<vmem>>) target(%dma_start3A_78 : memref<10240xf32, #tpu.memory_space<hbm>>) target_semaphore(%run_scoped3A_72 : memref<!tpu.dma_semaphore, #tpu.memory_space<semaphore_mem>>)
      %dma_wait3A_79 = arith.constant 0 : i32
      %dma_wait3A_80 = tpu.memref_slice %arg3[%add3A, %run_scoped3A_69, %dma_wait3A_79] : memref<32x4x10240xf32, #tpu.memory_space<hbm>> -> memref<1x1x10240xf32, #tpu.memory_space<hbm>>
      %dma_wait3A_81 = tpu.memref_squeeze %dma_wait3A_80 : memref<1x1x10240xf32, #tpu.memory_space<hbm>> -> memref<10240xf32, #tpu.memory_space<hbm>>
      %dma_wait3A_82 = arith.constant 0 : i32
      %dma_wait3A_83 = tpu.memref_slice %arg3[%add3A, %run_scoped3A_69, %dma_wait3A_82] : memref<32x4x10240xf32, #tpu.memory_space<hbm>> -> memref<1x1x10240xf32, #tpu.memory_space<hbm>>
      %dma_wait3A_84 = tpu.memref_squeeze %dma_wait3A_83 : memref<1x1x10240xf32, #tpu.memory_space<hbm>> -> memref<10240xf32, #tpu.memory_space<hbm>>
      tpu.wait_dma2 semaphore(%run_scoped3A_72 : memref<!tpu.dma_semaphore, #tpu.memory_space<semaphore_mem>>) src(%arg9 : memref<10240xf32, #tpu.memory_space<vmem>>) dst(%dma_wait3A_84 : memref<10240xf32, #tpu.memory_space<hbm>>)
      tpu.yield
    }) : () -> ()
    %run_scoped3A_70 = arith.constant 2 : i32
    "tpu.region"() ({
      %run_scoped3A_72 = tpu.sem_alloc : memref<!tpu.dma_semaphore, #tpu.memory_space<semaphore_mem>>
      %dma_start3A_73 = arith.constant 0 : i32
      %dma_start3A_74 = tpu.memref_slice %arg3[%add3A, %run_scoped3A_70, %dma_start3A_73] : memref<32x4x10240xf32, #tpu.memory_space<hbm>> -> memref<1x1x10240xf32, #tpu.memory_space<hbm>>
      %dma_start3A_75 = tpu.memref_squeeze %dma_start3A_74 : memref<1x1x10240xf32, #tpu.memory_space<hbm>> -> memref<10240xf32, #tpu.memory_space<hbm>>
      %dma_start3A_76 = arith.constant 0 : i32
      %dma_start3A_77 = tpu.memref_slice %arg3[%add3A, %run_scoped3A_70, %dma_start3A_76] : memref<32x4x10240xf32, #tpu.memory_space<hbm>> -> memref<1x1x10240xf32, #tpu.memory_space<hbm>>
      %dma_start3A_78 = tpu.memref_squeeze %dma_start3A_77 : memref<1x1x10240xf32, #tpu.memory_space<hbm>> -> memref<10240xf32, #tpu.memory_space<hbm>>
      tpu.enqueue_dma source(%arg10 : memref<10240xf32, #tpu.memory_space<vmem>>) target(%dma_start3A_78 : memref<10240xf32, #tpu.memory_space<hbm>>) target_semaphore(%run_scoped3A_72 : memref<!tpu.dma_semaphore, #tpu.memory_space<semaphore_mem>>)
      %dma_wait3A_79 = arith.constant 0 : i32
      %dma_wait3A_80 = tpu.memref_slice %arg3[%add3A, %run_scoped3A_70, %dma_wait3A_79] : memref<32x4x10240xf32, #tpu.memory_space<hbm>> -> memref<1x1x10240xf32, #tpu.memory_space<hbm>>
      %dma_wait3A_81 = tpu.memref_squeeze %dma_wait3A_80 : memref<1x1x10240xf32, #tpu.memory_space<hbm>> -> memref<10240xf32, #tpu.memory_space<hbm>>
      %dma_wait3A_82 = arith.constant 0 : i32
      %dma_wait3A_83 = tpu.memref_slice %arg3[%add3A, %run_scoped3A_70, %dma_wait3A_82] : memref<32x4x10240xf32, #tpu.memory_space<hbm>> -> memref<1x1x10240xf32, #tpu.memory_space<hbm>>
      %dma_wait3A_84 = tpu.memref_squeeze %dma_wait3A_83 : memref<1x1x10240xf32, #tpu.memory_space<hbm>> -> memref<10240xf32, #tpu.memory_space<hbm>>
      tpu.wait_dma2 semaphore(%run_scoped3A_72 : memref<!tpu.dma_semaphore, #tpu.memory_space<semaphore_mem>>) src(%arg10 : memref<10240xf32, #tpu.memory_space<vmem>>) dst(%dma_wait3A_84 : memref<10240xf32, #tpu.memory_space<hbm>>)
      tpu.yield
    }) : () -> ()
    %run_scoped3A_71 = arith.constant 3 : i32
    "tpu.region"() ({
      %run_scoped3A_72 = tpu.sem_alloc : memref<!tpu.dma_semaphore, #tpu.memory_space<semaphore_mem>>
      %dma_start3A_73 = arith.constant 0 : i32
      %dma_start3A_74 = tpu.memref_slice %arg3[%add3A, %run_scoped3A_71, %dma_start3A_73] : memref<32x4x10240xf32, #tpu.memory_space<hbm>> -> memref<1x1x10240xf32, #tpu.memory_space<hbm>>
      %dma_start3A_75 = tpu.memref_squeeze %dma_start3A_74 : memref<1x1x10240xf32, #tpu.memory_space<hbm>> -> memref<10240xf32, #tpu.memory_space<hbm>>
      %dma_start3A_76 = arith.constant 0 : i32
      %dma_start3A_77 = tpu.memref_slice %arg3[%add3A, %run_scoped3A_71, %dma_start3A_76] : memref<32x4x10240xf32, #tpu.memory_space<hbm>> -> memref<1x1x10240xf32, #tpu.memory_space<hbm>>
      %dma_start3A_78 = tpu.memref_squeeze %dma_start3A_77 : memref<1x1x10240xf32, #tpu.memory_space<hbm>> -> memref<10240xf32, #tpu.memory_space<hbm>>
      tpu.enqueue_dma source(%arg11 : memref<10240xf32, #tpu.memory_space<vmem>>) target(%dma_start3A_78 : memref<10240xf32, #tpu.memory_space<hbm>>) target_semaphore(%run_scoped3A_72 : memref<!tpu.dma_semaphore, #tpu.memory_space<semaphore_mem>>)
      %dma_wait3A_79 = arith.constant 0 : i32
      %dma_wait3A_80 = tpu.memref_slice %arg3[%add3A, %run_scoped3A_71, %dma_wait3A_79] : memref<32x4x10240xf32, #tpu.memory_space<hbm>> -> memref<1x1x10240xf32, #tpu.memory_space<hbm>>
      %dma_wait3A_81 = tpu.memref_squeeze %dma_wait3A_80 : memref<1x1x10240xf32, #tpu.memory_space<hbm>> -> memref<10240xf32, #tpu.memory_space<hbm>>
      %dma_wait3A_82 = arith.constant 0 : i32
      %dma_wait3A_83 = tpu.memref_slice %arg3[%add3A, %run_scoped3A_71, %dma_wait3A_82] : memref<32x4x10240xf32, #tpu.memory_space<hbm>> -> memref<1x1x10240xf32, #tpu.memory_space<hbm>>
      %dma_wait3A_84 = tpu.memref_squeeze %dma_wait3A_83 : memref<1x1x10240xf32, #tpu.memory_space<hbm>> -> memref<10240xf32, #tpu.memory_space<hbm>>
      tpu.wait_dma2 semaphore(%run_scoped3A_72 : memref<!tpu.dma_semaphore, #tpu.memory_space<semaphore_mem>>) src(%arg11 : memref<10240xf32, #tpu.memory_space<vmem>>) dst(%dma_wait3A_84 : memref<10240xf32, #tpu.memory_space<hbm>>)
      tpu.yield
    }) : () -> ()
    return
  }
}

#map = affine_map<(d0, d1) -> (0, 0)>
#map1 = affine_map<(d0, d1) -> (0, 0, 0)>
module attributes {stable_mosaic.version = 14 : i64} {
  func.func @edge_kernel(%arg0: i32, %arg1: i32, %arg2: memref<2x10240xf32, #tpu.memory_space<hbm>>, %arg3: memref<4x32x5120xi32, #tpu.memory_space<hbm>>, %arg4: memref<32x2x10240xf32, #tpu.memory_space<hbm>>, %arg5: memref<5120xi32, #tpu.memory_space<vmem>>, %arg6: memref<5120xi32, #tpu.memory_space<vmem>>, %arg7: memref<5120xi32, #tpu.memory_space<vmem>>, %arg8: memref<5120xi32, #tpu.memory_space<vmem>>, %arg9: memref<10240xf32, #tpu.memory_space<vmem>>, %arg10: memref<10240xf32, #tpu.memory_space<vmem>>, %arg11: memref<10240xf32, #tpu.memory_space<vmem>>, %arg12: memref<10240xf32, #tpu.memory_space<vmem>>, %arg13: memref<!tpu.dma_semaphore, #tpu.memory_space<semaphore_mem>>) attributes {dimension_semantics = [#tpu.dimension_semantics<core_parallel>, #tpu.dimension_semantics<subcore_parallel>], iteration_bounds = array<i64: 2, 16>, scalar_prefetch = 0 : i64, scratch_operands = 9 : i64, tpu.core_type = #tpu.core_type<sc_vector_subcore>, window_params = [{transform_indices = #map}, {transform_indices = #map1}, {transform_indices = #map1}]} {
    %mul3A = arith.constant 2 : i32
    %mul3A_0 = arith.muli %arg1, %mul3A : i32
    %add3A = arith.addi %mul3A_0, %arg0 : i32
    %broadcast_in_dim3A = arith.constant 0.000000e+00 : f32
    %broadcast_in_dim3A_1 = vector.broadcast %broadcast_in_dim3A : f32 to vector<16xf32>
    %scan3A = arith.constant 0 : i32
    %scan3A_2 = arith.constant 0 : i32
    %scan3A_3 = arith.constant 640 : i32
    %scan3A_4 = arith.addi %scan3A_2, %scan3A_3 : i32
    %scan3A_5 = arith.constant 1 : i32
    scf.for %scan3A_96 = %scan3A_2 to %scan3A_4 step %scan3A_5  : i32 {
      %mul3A_97 = arith.constant 16 : i32
      %mul3A_98 = arith.muli %scan3A_96, %mul3A_97 : i32
      %swap3A = arith.index_cast %mul3A_98 : i32 to index
      %swap3A_99 = tpu.vector_load %arg11[%swap3A] {strides = array<i32>} : memref<10240xf32, #tpu.memory_space<vmem>>, vector<16xf32>,
      tpu.vector_store %arg11[%swap3A], %broadcast_in_dim3A_1 {strides = array<i32>} : memref<10240xf32, #tpu.memory_space<vmem>>, vector<16xf32>,
      %mul3A_100 = arith.constant 16 : i32
      %mul3A_101 = arith.muli %scan3A_96, %mul3A_100 : i32
      %swap3A_102 = arith.index_cast %mul3A_101 : i32 to index
      %swap3A_103 = tpu.vector_load %arg12[%swap3A_102] {strides = array<i32>} : memref<10240xf32, #tpu.memory_space<vmem>>, vector<16xf32>,
      tpu.vector_store %arg12[%swap3A_102], %broadcast_in_dim3A_1 {strides = array<i32>} : memref<10240xf32, #tpu.memory_space<vmem>>, vector<16xf32>,
    }
    %scan3A_6 = arith.constant 640 : i32
    %dma_start3A = arith.constant 0 : i32
    %dma_start3A_7 = arith.constant 0 : i32
    %dma_start3A_8 = tpu.memref_slice %arg3[%dma_start3A, %add3A, %dma_start3A_7] : memref<4x32x5120xi32, #tpu.memory_space<hbm>> -> memref<1x1x5120xi32, #tpu.memory_space<hbm>>
    %dma_start3A_9 = tpu.memref_squeeze %dma_start3A_8 : memref<1x1x5120xi32, #tpu.memory_space<hbm>> -> memref<5120xi32, #tpu.memory_space<hbm>>
    %dma_start3A_10 = arith.constant 0 : i32
    %dma_start3A_11 = tpu.memref_slice %arg3[%dma_start3A, %add3A, %dma_start3A_10] : memref<4x32x5120xi32, #tpu.memory_space<hbm>> -> memref<1x1x5120xi32, #tpu.memory_space<hbm>>
    %dma_start3A_12 = tpu.memref_squeeze %dma_start3A_11 : memref<1x1x5120xi32, #tpu.memory_space<hbm>> -> memref<5120xi32, #tpu.memory_space<hbm>>
    tpu.enqueue_dma source(%dma_start3A_12 : memref<5120xi32, #tpu.memory_space<hbm>>) target(%arg5 : memref<5120xi32, #tpu.memory_space<vmem>>) target_semaphore(%arg13 : memref<!tpu.dma_semaphore, #tpu.memory_space<semaphore_mem>>)
    %dma_start3A_13 = arith.constant 1 : i32
    %dma_start3A_14 = arith.constant 0 : i32
    %dma_start3A_15 = tpu.memref_slice %arg3[%dma_start3A_13, %add3A, %dma_start3A_14] : memref<4x32x5120xi32, #tpu.memory_space<hbm>> -> memref<1x1x5120xi32, #tpu.memory_space<hbm>>
    %dma_start3A_16 = tpu.memref_squeeze %dma_start3A_15 : memref<1x1x5120xi32, #tpu.memory_space<hbm>> -> memref<5120xi32, #tpu.memory_space<hbm>>
    %dma_start3A_17 = arith.constant 0 : i32
    %dma_start3A_18 = tpu.memref_slice %arg3[%dma_start3A_13, %add3A, %dma_start3A_17] : memref<4x32x5120xi32, #tpu.memory_space<hbm>> -> memref<1x1x5120xi32, #tpu.memory_space<hbm>>
    %dma_start3A_19 = tpu.memref_squeeze %dma_start3A_18 : memref<1x1x5120xi32, #tpu.memory_space<hbm>> -> memref<5120xi32, #tpu.memory_space<hbm>>
    tpu.enqueue_dma source(%dma_start3A_19 : memref<5120xi32, #tpu.memory_space<hbm>>) target(%arg7 : memref<5120xi32, #tpu.memory_space<vmem>>) target_semaphore(%arg13 : memref<!tpu.dma_semaphore, #tpu.memory_space<semaphore_mem>>)
    %dma_start3A_20 = arith.constant 0 : i32
    %dma_start3A_21 = arith.constant 0 : i32
    %dma_start3A_22 = tpu.memref_slice %arg2[%dma_start3A_20, %dma_start3A_21] : memref<2x10240xf32, #tpu.memory_space<hbm>> -> memref<1x10240xf32, #tpu.memory_space<hbm>>
    %dma_start3A_23 = tpu.memref_squeeze %dma_start3A_22 : memref<1x10240xf32, #tpu.memory_space<hbm>> -> memref<10240xf32, #tpu.memory_space<hbm>>
    %dma_start3A_24 = arith.constant 0 : i32
    %dma_start3A_25 = tpu.memref_slice %arg2[%dma_start3A_20, %dma_start3A_24] : memref<2x10240xf32, #tpu.memory_space<hbm>> -> memref<1x10240xf32, #tpu.memory_space<hbm>>
    %dma_start3A_26 = tpu.memref_squeeze %dma_start3A_25 : memref<1x10240xf32, #tpu.memory_space<hbm>> -> memref<10240xf32, #tpu.memory_space<hbm>>
    tpu.enqueue_dma source(%dma_start3A_26 : memref<10240xf32, #tpu.memory_space<hbm>>) target(%arg9 : memref<10240xf32, #tpu.memory_space<vmem>>) target_semaphore(%arg13 : memref<!tpu.dma_semaphore, #tpu.memory_space<semaphore_mem>>)
    %dma_start3A_27 = arith.constant 2 : i32
    %dma_start3A_28 = arith.constant 0 : i32
    %dma_start3A_29 = tpu.memref_slice %arg3[%dma_start3A_27, %add3A, %dma_start3A_28] : memref<4x32x5120xi32, #tpu.memory_space<hbm>> -> memref<1x1x5120xi32, #tpu.memory_space<hbm>>
    %dma_start3A_30 = tpu.memref_squeeze %dma_start3A_29 : memref<1x1x5120xi32, #tpu.memory_space<hbm>> -> memref<5120xi32, #tpu.memory_space<hbm>>
    %dma_start3A_31 = arith.constant 0 : i32
    %dma_start3A_32 = tpu.memref_slice %arg3[%dma_start3A_27, %add3A, %dma_start3A_31] : memref<4x32x5120xi32, #tpu.memory_space<hbm>> -> memref<1x1x5120xi32, #tpu.memory_space<hbm>>
    %dma_start3A_33 = tpu.memref_squeeze %dma_start3A_32 : memref<1x1x5120xi32, #tpu.memory_space<hbm>> -> memref<5120xi32, #tpu.memory_space<hbm>>
    tpu.enqueue_dma source(%dma_start3A_33 : memref<5120xi32, #tpu.memory_space<hbm>>) target(%arg6 : memref<5120xi32, #tpu.memory_space<vmem>>) target_semaphore(%arg13 : memref<!tpu.dma_semaphore, #tpu.memory_space<semaphore_mem>>)
    %dma_start3A_34 = arith.constant 3 : i32
    %dma_start3A_35 = arith.constant 0 : i32
    %dma_start3A_36 = tpu.memref_slice %arg3[%dma_start3A_34, %add3A, %dma_start3A_35] : memref<4x32x5120xi32, #tpu.memory_space<hbm>> -> memref<1x1x5120xi32, #tpu.memory_space<hbm>>
    %dma_start3A_37 = tpu.memref_squeeze %dma_start3A_36 : memref<1x1x5120xi32, #tpu.memory_space<hbm>> -> memref<5120xi32, #tpu.memory_space<hbm>>
    %dma_start3A_38 = arith.constant 0 : i32
    %dma_start3A_39 = tpu.memref_slice %arg3[%dma_start3A_34, %add3A, %dma_start3A_38] : memref<4x32x5120xi32, #tpu.memory_space<hbm>> -> memref<1x1x5120xi32, #tpu.memory_space<hbm>>
    %dma_start3A_40 = tpu.memref_squeeze %dma_start3A_39 : memref<1x1x5120xi32, #tpu.memory_space<hbm>> -> memref<5120xi32, #tpu.memory_space<hbm>>
    tpu.enqueue_dma source(%dma_start3A_40 : memref<5120xi32, #tpu.memory_space<hbm>>) target(%arg8 : memref<5120xi32, #tpu.memory_space<vmem>>) target_semaphore(%arg13 : memref<!tpu.dma_semaphore, #tpu.memory_space<semaphore_mem>>)
    %dma_start3A_41 = arith.constant 1 : i32
    %dma_start3A_42 = arith.constant 0 : i32
    %dma_start3A_43 = tpu.memref_slice %arg2[%dma_start3A_41, %dma_start3A_42] : memref<2x10240xf32, #tpu.memory_space<hbm>> -> memref<1x10240xf32, #tpu.memory_space<hbm>>
    %dma_start3A_44 = tpu.memref_squeeze %dma_start3A_43 : memref<1x10240xf32, #tpu.memory_space<hbm>> -> memref<10240xf32, #tpu.memory_space<hbm>>
    %dma_start3A_45 = arith.constant 0 : i32
    %dma_start3A_46 = tpu.memref_slice %arg2[%dma_start3A_41, %dma_start3A_45] : memref<2x10240xf32, #tpu.memory_space<hbm>> -> memref<1x10240xf32, #tpu.memory_space<hbm>>
    %dma_start3A_47 = tpu.memref_squeeze %dma_start3A_46 : memref<1x10240xf32, #tpu.memory_space<hbm>> -> memref<10240xf32, #tpu.memory_space<hbm>>
    tpu.enqueue_dma source(%dma_start3A_47 : memref<10240xf32, #tpu.memory_space<hbm>>) target(%arg10 : memref<10240xf32, #tpu.memory_space<vmem>>) target_semaphore(%arg13 : memref<!tpu.dma_semaphore, #tpu.memory_space<semaphore_mem>>)
    %dma_wait3A = arith.constant 0 : i32
    %dma_wait3A_48 = arith.constant 0 : i32
    %dma_wait3A_49 = tpu.memref_slice %arg3[%dma_wait3A, %add3A, %dma_wait3A_48] : memref<4x32x5120xi32, #tpu.memory_space<hbm>> -> memref<1x1x5120xi32, #tpu.memory_space<hbm>>
    %dma_wait3A_50 = tpu.memref_squeeze %dma_wait3A_49 : memref<1x1x5120xi32, #tpu.memory_space<hbm>> -> memref<5120xi32, #tpu.memory_space<hbm>>
    %dma_wait3A_51 = arith.constant 0 : i32
    %dma_wait3A_52 = tpu.memref_slice %arg3[%dma_wait3A, %add3A, %dma_wait3A_51] : memref<4x32x5120xi32, #tpu.memory_space<hbm>> -> memref<1x1x5120xi32, #tpu.memory_space<hbm>>
    %dma_wait3A_53 = tpu.memref_squeeze %dma_wait3A_52 : memref<1x1x5120xi32, #tpu.memory_space<hbm>> -> memref<5120xi32, #tpu.memory_space<hbm>>
    tpu.wait_dma2 semaphore(%arg13 : memref<!tpu.dma_semaphore, #tpu.memory_space<semaphore_mem>>) src(%dma_wait3A_53 : memref<5120xi32, #tpu.memory_space<hbm>>) dst(%arg5 : memref<5120xi32, #tpu.memory_space<vmem>>)
    %dma_wait3A_54 = arith.constant 1 : i32
    %dma_wait3A_55 = arith.constant 0 : i32
    %dma_wait3A_56 = tpu.memref_slice %arg3[%dma_wait3A_54, %add3A, %dma_wait3A_55] : memref<4x32x5120xi32, #tpu.memory_space<hbm>> -> memref<1x1x5120xi32, #tpu.memory_space<hbm>>
    %dma_wait3A_57 = tpu.memref_squeeze %dma_wait3A_56 : memref<1x1x5120xi32, #tpu.memory_space<hbm>> -> memref<5120xi32, #tpu.memory_space<hbm>>
    %dma_wait3A_58 = arith.constant 0 : i32
    %dma_wait3A_59 = tpu.memref_slice %arg3[%dma_wait3A_54, %add3A, %dma_wait3A_58] : memref<4x32x5120xi32, #tpu.memory_space<hbm>> -> memref<1x1x5120xi32, #tpu.memory_space<hbm>>
    %dma_wait3A_60 = tpu.memref_squeeze %dma_wait3A_59 : memref<1x1x5120xi32, #tpu.memory_space<hbm>> -> memref<5120xi32, #tpu.memory_space<hbm>>
    tpu.wait_dma2 semaphore(%arg13 : memref<!tpu.dma_semaphore, #tpu.memory_space<semaphore_mem>>) src(%dma_wait3A_60 : memref<5120xi32, #tpu.memory_space<hbm>>) dst(%arg7 : memref<5120xi32, #tpu.memory_space<vmem>>)
    %dma_wait3A_61 = arith.constant 0 : i32
    %dma_wait3A_62 = arith.constant 0 : i32
    %dma_wait3A_63 = tpu.memref_slice %arg2[%dma_wait3A_61, %dma_wait3A_62] : memref<2x10240xf32, #tpu.memory_space<hbm>> -> memref<1x10240xf32, #tpu.memory_space<hbm>>
    %dma_wait3A_64 = tpu.memref_squeeze %dma_wait3A_63 : memref<1x10240xf32, #tpu.memory_space<hbm>> -> memref<10240xf32, #tpu.memory_space<hbm>>
    %dma_wait3A_65 = arith.constant 0 : i32
    %dma_wait3A_66 = tpu.memref_slice %arg2[%dma_wait3A_61, %dma_wait3A_65] : memref<2x10240xf32, #tpu.memory_space<hbm>> -> memref<1x10240xf32, #tpu.memory_space<hbm>>
    %dma_wait3A_67 = tpu.memref_squeeze %dma_wait3A_66 : memref<1x10240xf32, #tpu.memory_space<hbm>> -> memref<10240xf32, #tpu.memory_space<hbm>>
    tpu.wait_dma2 semaphore(%arg13 : memref<!tpu.dma_semaphore, #tpu.memory_space<semaphore_mem>>) src(%dma_wait3A_67 : memref<10240xf32, #tpu.memory_space<hbm>>) dst(%arg9 : memref<10240xf32, #tpu.memory_space<vmem>>)
    %dma_wait3A_68 = arith.constant 2 : i32
    %dma_wait3A_69 = arith.constant 0 : i32
    %dma_wait3A_70 = tpu.memref_slice %arg3[%dma_wait3A_68, %add3A, %dma_wait3A_69] : memref<4x32x5120xi32, #tpu.memory_space<hbm>> -> memref<1x1x5120xi32, #tpu.memory_space<hbm>>
    %dma_wait3A_71 = tpu.memref_squeeze %dma_wait3A_70 : memref<1x1x5120xi32, #tpu.memory_space<hbm>> -> memref<5120xi32, #tpu.memory_space<hbm>>
    %dma_wait3A_72 = arith.constant 0 : i32
    %dma_wait3A_73 = tpu.memref_slice %arg3[%dma_wait3A_68, %add3A, %dma_wait3A_72] : memref<4x32x5120xi32, #tpu.memory_space<hbm>> -> memref<1x1x5120xi32, #tpu.memory_space<hbm>>
    %dma_wait3A_74 = tpu.memref_squeeze %dma_wait3A_73 : memref<1x1x5120xi32, #tpu.memory_space<hbm>> -> memref<5120xi32, #tpu.memory_space<hbm>>
    tpu.wait_dma2 semaphore(%arg13 : memref<!tpu.dma_semaphore, #tpu.memory_space<semaphore_mem>>) src(%dma_wait3A_74 : memref<5120xi32, #tpu.memory_space<hbm>>) dst(%arg6 : memref<5120xi32, #tpu.memory_space<vmem>>)
    %dma_wait3A_75 = arith.constant 3 : i32
    %dma_wait3A_76 = arith.constant 0 : i32
    %dma_wait3A_77 = tpu.memref_slice %arg3[%dma_wait3A_75, %add3A, %dma_wait3A_76] : memref<4x32x5120xi32, #tpu.memory_space<hbm>> -> memref<1x1x5120xi32, #tpu.memory_space<hbm>>
    %dma_wait3A_78 = tpu.memref_squeeze %dma_wait3A_77 : memref<1x1x5120xi32, #tpu.memory_space<hbm>> -> memref<5120xi32, #tpu.memory_space<hbm>>
    %dma_wait3A_79 = arith.constant 0 : i32
    %dma_wait3A_80 = tpu.memref_slice %arg3[%dma_wait3A_75, %add3A, %dma_wait3A_79] : memref<4x32x5120xi32, #tpu.memory_space<hbm>> -> memref<1x1x5120xi32, #tpu.memory_space<hbm>>
    %dma_wait3A_81 = tpu.memref_squeeze %dma_wait3A_80 : memref<1x1x5120xi32, #tpu.memory_space<hbm>> -> memref<5120xi32, #tpu.memory_space<hbm>>
    tpu.wait_dma2 semaphore(%arg13 : memref<!tpu.dma_semaphore, #tpu.memory_space<semaphore_mem>>) src(%dma_wait3A_81 : memref<5120xi32, #tpu.memory_space<hbm>>) dst(%arg8 : memref<5120xi32, #tpu.memory_space<vmem>>)
    %dma_wait3A_82 = arith.constant 1 : i32
    %dma_wait3A_83 = arith.constant 0 : i32
    %dma_wait3A_84 = tpu.memref_slice %arg2[%dma_wait3A_82, %dma_wait3A_83] : memref<2x10240xf32, #tpu.memory_space<hbm>> -> memref<1x10240xf32, #tpu.memory_space<hbm>>
    %dma_wait3A_85 = tpu.memref_squeeze %dma_wait3A_84 : memref<1x10240xf32, #tpu.memory_space<hbm>> -> memref<10240xf32, #tpu.memory_space<hbm>>
    %dma_wait3A_86 = arith.constant 0 : i32
    %dma_wait3A_87 = tpu.memref_slice %arg2[%dma_wait3A_82, %dma_wait3A_86] : memref<2x10240xf32, #tpu.memory_space<hbm>> -> memref<1x10240xf32, #tpu.memory_space<hbm>>
    %dma_wait3A_88 = tpu.memref_squeeze %dma_wait3A_87 : memref<1x10240xf32, #tpu.memory_space<hbm>> -> memref<10240xf32, #tpu.memory_space<hbm>>
    tpu.wait_dma2 semaphore(%arg13 : memref<!tpu.dma_semaphore, #tpu.memory_space<semaphore_mem>>) src(%dma_wait3A_88 : memref<10240xf32, #tpu.memory_space<hbm>>) dst(%arg10 : memref<10240xf32, #tpu.memory_space<vmem>>)
    %scan3A_89 = arith.constant 0 : i32
    %scan3A_90 = arith.constant 0 : i32
    %scan3A_91 = arith.constant 160 : i32
    %scan3A_92 = arith.addi %scan3A_90, %scan3A_91 : i32
    %scan3A_93 = arith.constant 1 : i32
    scf.for %scan3A_96 = %scan3A_90 to %scan3A_92 step %scan3A_93  : i32 {
      %mul3A_97 = arith.constant 32 : i32
      %mul3A_98 = arith.muli %scan3A_96, %mul3A_97 : i32
      %add3A_99 = arith.constant 0 : i32
      %add3A_100 = arith.addi %mul3A_98, %add3A_99 : i32
      %get3A = arith.index_cast %add3A_100 : i32 to index
      %get3A_101 = tpu.vector_load %arg5[%get3A] {strides = array<i32>} : memref<5120xi32, #tpu.memory_space<vmem>>, vector<16xi32>,
      %gather3A = tpu.vector_load_idx %arg9[%get3A_101] : memref<10240xf32, #tpu.memory_space<vmem>>[vector<16xi32>], vector<16xf32>,
      %mul3A_102 = arith.constant 32 : i32
      %mul3A_103 = arith.muli %scan3A_96, %mul3A_102 : i32
      %add3A_104 = arith.constant 0 : i32
      %add3A_105 = arith.addi %mul3A_103, %add3A_104 : i32
      %get3A_106 = arith.index_cast %add3A_105 : i32 to index
      %get3A_107 = tpu.vector_load %arg7[%get3A_106] {strides = array<i32>} : memref<5120xi32, #tpu.memory_space<vmem>>, vector<16xi32>,
      tpu.vector_store_idx %arg11[%get3A_107], %gather3A {add = true} : memref<10240xf32, #tpu.memory_space<vmem>>[vector<16xi32>], vector<16xf32>,
      %mul3A_108 = arith.constant 32 : i32
      %mul3A_109 = arith.muli %scan3A_96, %mul3A_108 : i32
      %add3A_110 = arith.constant 0 : i32
      %add3A_111 = arith.addi %mul3A_109, %add3A_110 : i32
      %get3A_112 = arith.index_cast %add3A_111 : i32 to index
      %get3A_113 = tpu.vector_load %arg6[%get3A_112] {strides = array<i32>} : memref<5120xi32, #tpu.memory_space<vmem>>, vector<16xi32>,
      %gather3A_114 = tpu.vector_load_idx %arg10[%get3A_113] : memref<10240xf32, #tpu.memory_space<vmem>>[vector<16xi32>], vector<16xf32>,
      %mul3A_115 = arith.constant 32 : i32
      %mul3A_116 = arith.muli %scan3A_96, %mul3A_115 : i32
      %add3A_117 = arith.constant 0 : i32
      %add3A_118 = arith.addi %mul3A_116, %add3A_117 : i32
      %get3A_119 = arith.index_cast %add3A_118 : i32 to index
      %get3A_120 = tpu.vector_load %arg8[%get3A_119] {strides = array<i32>} : memref<5120xi32, #tpu.memory_space<vmem>>, vector<16xi32>,
      tpu.vector_store_idx %arg12[%get3A_120], %gather3A_114 {add = true} : memref<10240xf32, #tpu.memory_space<vmem>>[vector<16xi32>], vector<16xf32>,
      %mul3A_121 = arith.constant 32 : i32
      %mul3A_122 = arith.muli %scan3A_96, %mul3A_121 : i32
      %add3A_123 = arith.constant 16 : i32
      %add3A_124 = arith.addi %mul3A_122, %add3A_123 : i32
      %get3A_125 = arith.index_cast %add3A_124 : i32 to index
      %get3A_126 = tpu.vector_load %arg5[%get3A_125] {strides = array<i32>} : memref<5120xi32, #tpu.memory_space<vmem>>, vector<16xi32>,
      %gather3A_127 = tpu.vector_load_idx %arg9[%get3A_126] : memref<10240xf32, #tpu.memory_space<vmem>>[vector<16xi32>], vector<16xf32>,
      %mul3A_128 = arith.constant 32 : i32
      %mul3A_129 = arith.muli %scan3A_96, %mul3A_128 : i32
      %add3A_130 = arith.constant 16 : i32
      %add3A_131 = arith.addi %mul3A_129, %add3A_130 : i32
      %get3A_132 = arith.index_cast %add3A_131 : i32 to index
      %get3A_133 = tpu.vector_load %arg7[%get3A_132] {strides = array<i32>} : memref<5120xi32, #tpu.memory_space<vmem>>, vector<16xi32>,
      tpu.vector_store_idx %arg11[%get3A_133], %gather3A_127 {add = true} : memref<10240xf32, #tpu.memory_space<vmem>>[vector<16xi32>], vector<16xf32>,
      %mul3A_134 = arith.constant 32 : i32
      %mul3A_135 = arith.muli %scan3A_96, %mul3A_134 : i32
      %add3A_136 = arith.constant 16 : i32
      %add3A_137 = arith.addi %mul3A_135, %add3A_136 : i32
      %get3A_138 = arith.index_cast %add3A_137 : i32 to index
      %get3A_139 = tpu.vector_load %arg6[%get3A_138] {strides = array<i32>} : memref<5120xi32, #tpu.memory_space<vmem>>, vector<16xi32>,
      %gather3A_140 = tpu.vector_load_idx %arg10[%get3A_139] : memref<10240xf32, #tpu.memory_space<vmem>>[vector<16xi32>], vector<16xf32>,
      %mul3A_141 = arith.constant 32 : i32
      %mul3A_142 = arith.muli %scan3A_96, %mul3A_141 : i32
      %add3A_143 = arith.constant 16 : i32
      %add3A_144 = arith.addi %mul3A_142, %add3A_143 : i32
      %get3A_145 = arith.index_cast %add3A_144 : i32 to index
      %get3A_146 = tpu.vector_load %arg8[%get3A_145] {strides = array<i32>} : memref<5120xi32, #tpu.memory_space<vmem>>, vector<16xi32>,
      tpu.vector_store_idx %arg12[%get3A_146], %gather3A_140 {add = true} : memref<10240xf32, #tpu.memory_space<vmem>>[vector<16xi32>], vector<16xf32>,
    }
    %scan3A_94 = arith.constant 160 : i32
    %barrier3A = arith.constant 0 : index
    tpu.barrier barrier_id(%barrier3A)
    %run_scoped3A = arith.constant 0 : i32
    "tpu.region"() ({
      %run_scoped3A_96 = tpu.sem_alloc : memref<!tpu.dma_semaphore, #tpu.memory_space<semaphore_mem>>
      %dma_start3A_97 = arith.constant 0 : i32
      %dma_start3A_98 = tpu.memref_slice %arg4[%add3A, %run_scoped3A, %dma_start3A_97] : memref<32x2x10240xf32, #tpu.memory_space<hbm>> -> memref<1x1x10240xf32, #tpu.memory_space<hbm>>
      %dma_start3A_99 = tpu.memref_squeeze %dma_start3A_98 : memref<1x1x10240xf32, #tpu.memory_space<hbm>> -> memref<10240xf32, #tpu.memory_space<hbm>>
      %dma_start3A_100 = arith.constant 0 : i32
      %dma_start3A_101 = tpu.memref_slice %arg4[%add3A, %run_scoped3A, %dma_start3A_100] : memref<32x2x10240xf32, #tpu.memory_space<hbm>> -> memref<1x1x10240xf32, #tpu.memory_space<hbm>>
      %dma_start3A_102 = tpu.memref_squeeze %dma_start3A_101 : memref<1x1x10240xf32, #tpu.memory_space<hbm>> -> memref<10240xf32, #tpu.memory_space<hbm>>
      tpu.enqueue_dma source(%arg11 : memref<10240xf32, #tpu.memory_space<vmem>>) target(%dma_start3A_102 : memref<10240xf32, #tpu.memory_space<hbm>>) target_semaphore(%run_scoped3A_96 : memref<!tpu.dma_semaphore, #tpu.memory_space<semaphore_mem>>)
      %dma_wait3A_103 = arith.constant 0 : i32
      %dma_wait3A_104 = tpu.memref_slice %arg4[%add3A, %run_scoped3A, %dma_wait3A_103] : memref<32x2x10240xf32, #tpu.memory_space<hbm>> -> memref<1x1x10240xf32, #tpu.memory_space<hbm>>
      %dma_wait3A_105 = tpu.memref_squeeze %dma_wait3A_104 : memref<1x1x10240xf32, #tpu.memory_space<hbm>> -> memref<10240xf32, #tpu.memory_space<hbm>>
      %dma_wait3A_106 = arith.constant 0 : i32
      %dma_wait3A_107 = tpu.memref_slice %arg4[%add3A, %run_scoped3A, %dma_wait3A_106] : memref<32x2x10240xf32, #tpu.memory_space<hbm>> -> memref<1x1x10240xf32, #tpu.memory_space<hbm>>
      %dma_wait3A_108 = tpu.memref_squeeze %dma_wait3A_107 : memref<1x1x10240xf32, #tpu.memory_space<hbm>> -> memref<10240xf32, #tpu.memory_space<hbm>>
      tpu.wait_dma2 semaphore(%run_scoped3A_96 : memref<!tpu.dma_semaphore, #tpu.memory_space<semaphore_mem>>) src(%arg11 : memref<10240xf32, #tpu.memory_space<vmem>>) dst(%dma_wait3A_108 : memref<10240xf32, #tpu.memory_space<hbm>>)
      tpu.yield
    }) : () -> ()
    %run_scoped3A_95 = arith.constant 1 : i32
    "tpu.region"() ({
      %run_scoped3A_96 = tpu.sem_alloc : memref<!tpu.dma_semaphore, #tpu.memory_space<semaphore_mem>>
      %dma_start3A_97 = arith.constant 0 : i32
      %dma_start3A_98 = tpu.memref_slice %arg4[%add3A, %run_scoped3A_95, %dma_start3A_97] : memref<32x2x10240xf32, #tpu.memory_space<hbm>> -> memref<1x1x10240xf32, #tpu.memory_space<hbm>>
      %dma_start3A_99 = tpu.memref_squeeze %dma_start3A_98 : memref<1x1x10240xf32, #tpu.memory_space<hbm>> -> memref<10240xf32, #tpu.memory_space<hbm>>
      %dma_start3A_100 = arith.constant 0 : i32
      %dma_start3A_101 = tpu.memref_slice %arg4[%add3A, %run_scoped3A_95, %dma_start3A_100] : memref<32x2x10240xf32, #tpu.memory_space<hbm>> -> memref<1x1x10240xf32, #tpu.memory_space<hbm>>
      %dma_start3A_102 = tpu.memref_squeeze %dma_start3A_101 : memref<1x1x10240xf32, #tpu.memory_space<hbm>> -> memref<10240xf32, #tpu.memory_space<hbm>>
      tpu.enqueue_dma source(%arg12 : memref<10240xf32, #tpu.memory_space<vmem>>) target(%dma_start3A_102 : memref<10240xf32, #tpu.memory_space<hbm>>) target_semaphore(%run_scoped3A_96 : memref<!tpu.dma_semaphore, #tpu.memory_space<semaphore_mem>>)
      %dma_wait3A_103 = arith.constant 0 : i32
      %dma_wait3A_104 = tpu.memref_slice %arg4[%add3A, %run_scoped3A_95, %dma_wait3A_103] : memref<32x2x10240xf32, #tpu.memory_space<hbm>> -> memref<1x1x10240xf32, #tpu.memory_space<hbm>>
      %dma_wait3A_105 = tpu.memref_squeeze %dma_wait3A_104 : memref<1x1x10240xf32, #tpu.memory_space<hbm>> -> memref<10240xf32, #tpu.memory_space<hbm>>
      %dma_wait3A_106 = arith.constant 0 : i32
      %dma_wait3A_107 = tpu.memref_slice %arg4[%add3A, %run_scoped3A_95, %dma_wait3A_106] : memref<32x2x10240xf32, #tpu.memory_space<hbm>> -> memref<1x1x10240xf32, #tpu.memory_space<hbm>>
      %dma_wait3A_108 = tpu.memref_squeeze %dma_wait3A_107 : memref<1x1x10240xf32, #tpu.memory_space<hbm>> -> memref<10240xf32, #tpu.memory_space<hbm>>
      tpu.wait_dma2 semaphore(%run_scoped3A_96 : memref<!tpu.dma_semaphore, #tpu.memory_space<semaphore_mem>>) src(%arg12 : memref<10240xf32, #tpu.memory_space<vmem>>) dst(%dma_wait3A_108 : memref<10240xf32, #tpu.memory_space<hbm>>)
      tpu.yield
    }) : () -> ()
    return
  }
}

module attributes {stable_mosaic.version = 14 : i64} {
  func.func @_mv_kernel(%arg0: i32, %arg1: memref<1024x256xf32, #tpu.memory_space<vmem>>, %arg2: memref<1024x256xf32, #tpu.memory_space<vmem>>, %arg3: memref<256x256xf32, #tpu.memory_space<vmem>>, %arg4: memref<256x1xf32, #tpu.memory_space<vmem>>, %arg5: memref<256x256xf32, #tpu.memory_space<vmem>>, %arg6: memref<256x1xf32, #tpu.memory_space<vmem>>, %arg7: memref<2x1024xf32, #tpu.memory_space<vmem>>) attributes {dimension_semantics = [#tpu.dimension_semantics<arbitrary>], iteration_bounds = array<i64: 10>, scalar_prefetch = 0 : i64, scratch_operands = 0 : i64, tpu.core_type = #tpu.core_type<tc>, window_params = [{transform_indices = @transform_0, window_bounds = array<i64: 1024, 256>}, {transform_indices = @transform_1, window_bounds = array<i64: 1024, 256>}, {pipeline_mode = #tpu.pipeline_mode<synchronous>, transform_indices = @transform_2, window_bounds = array<i64: 256, 256>}, {pipeline_mode = #tpu.pipeline_mode<synchronous>, transform_indices = @transform_3, window_bounds = array<i64: 256, 1>}, {pipeline_mode = #tpu.pipeline_mode<synchronous>, transform_indices = @transform_4, window_bounds = array<i64: 256, 256>}, {pipeline_mode = #tpu.pipeline_mode<synchronous>, transform_indices = @transform_5, window_bounds = array<i64: 256, 1>}, {transform_indices = @transform_6, window_bounds = array<i64: 2, 1024>}]} {
    %get3A = arith.constant 0 : index
    %get3A_0 = arith.constant 0 : index
    %get3A_1 = vector.load %arg3[%get3A, %get3A_0] : memref<256x256xf32, #tpu.memory_space<vmem>>, vector<256x256xf32>
    %get3A_2 = arith.constant 0 : index
    %get3A_3 = arith.constant 0 : index
    %get3A_4 = vector.load %arg4[%get3A_2, %get3A_3] : memref<256x1xf32, #tpu.memory_space<vmem>>, vector<256x1xf32>
    %dot_general3A = arith.constant dense<0.000000e+00> : vector<256x1xf32>
    %dot_general3A_5 = tpu.matmul %get3A_1, %get3A_4, %dot_general3A {dimension_numbers = #tpu.dot_dimension_numbers<[1], [0], [0], [1], [0, 0, 1, 1], [], []>, transpose_lhs_hint = false} : vector<256x256xf32>, vector<256x1xf32>, vector<256x1xf32> -> vector<256x1xf32>
    %get3A_6 = arith.constant 0 : index
    %get3A_7 = arith.constant 0 : index
    %get3A_8 = vector.load %arg5[%get3A_6, %get3A_7] : memref<256x256xf32, #tpu.memory_space<vmem>>, vector<256x256xf32>
    %get3A_9 = arith.constant 0 : index
    %get3A_10 = arith.constant 0 : index
    %get3A_11 = vector.load %arg6[%get3A_9, %get3A_10] : memref<256x1xf32, #tpu.memory_space<vmem>>, vector<256x1xf32>
    %dot_general3A_12 = arith.constant dense<0.000000e+00> : vector<256x1xf32>
    %dot_general3A_13 = tpu.matmul %get3A_8, %get3A_11, %dot_general3A_12 {dimension_numbers = #tpu.dot_dimension_numbers<[1], [0], [0], [1], [0, 0, 1, 1], [], []>, transpose_lhs_hint = false} : vector<256x256xf32>, vector<256x1xf32>, vector<256x1xf32> -> vector<256x1xf32>
    %get3A_14 = arith.constant 0 : index
    %get3A_15 = arith.constant 0 : index
    %get3A_16 = vector.load %arg1[%get3A_14, %get3A_15] : memref<1024x256xf32, #tpu.memory_space<vmem>>, vector<1024x256xf32>
    %dot_general3A_17 = arith.constant dense<0.000000e+00> : vector<1024x1xf32>
    %dot_general3A_18 = tpu.matmul %get3A_16, %dot_general3A_5, %dot_general3A_17 {dimension_numbers = #tpu.dot_dimension_numbers<[1], [0], [0], [1], [0, 0, 1, 1], [], []>, transpose_lhs_hint = false} : vector<1024x256xf32>, vector<256x1xf32>, vector<1024x1xf32> -> vector<1024x1xf32>
    %squeeze3A = vector.shape_cast %dot_general3A_18 : vector<1024x1xf32> to vector<1024xf32>
    %swap3A = arith.constant 0 : index
    %swap3A_19 = arith.constant 0 : index
    %swap3A_20 = vector.load %arg7[%swap3A, %swap3A_19] : memref<2x1024xf32, #tpu.memory_space<vmem>>, vector<1x1024xf32>
    %swap3A_21 = vector.shape_cast %swap3A_20 : vector<1x1024xf32> to vector<1024xf32>
    %swap3A_22 = vector.shape_cast %squeeze3A : vector<1024xf32> to vector<1x1024xf32>
    tpu.vector_store %arg7[%swap3A, %swap3A_19], %swap3A_22 {strides = array<i32>} : memref<2x1024xf32, #tpu.memory_space<vmem>>, vector<1x1024xf32>,
    %get3A_23 = arith.constant 0 : index
    %get3A_24 = arith.constant 0 : index
    %get3A_25 = vector.load %arg2[%get3A_23, %get3A_24] : memref<1024x256xf32, #tpu.memory_space<vmem>>, vector<1024x256xf32>
    %dot_general3A_26 = arith.constant dense<0.000000e+00> : vector<1024x1xf32>
    %dot_general3A_27 = tpu.matmul %get3A_25, %dot_general3A_13, %dot_general3A_26 {dimension_numbers = #tpu.dot_dimension_numbers<[1], [0], [0], [1], [0, 0, 1, 1], [], []>, transpose_lhs_hint = false} : vector<1024x256xf32>, vector<256x1xf32>, vector<1024x1xf32> -> vector<1024x1xf32>
    %squeeze3A_28 = vector.shape_cast %dot_general3A_27 : vector<1024x1xf32> to vector<1024xf32>
    %swap3A_29 = arith.constant 1 : index
    %swap3A_30 = arith.constant 0 : index
    %swap3A_31 = vector.load %arg7[%swap3A_29, %swap3A_30] : memref<2x1024xf32, #tpu.memory_space<vmem>>, vector<1x1024xf32>
    %swap3A_32 = vector.shape_cast %swap3A_31 : vector<1x1024xf32> to vector<1024xf32>
    %swap3A_33 = vector.shape_cast %squeeze3A_28 : vector<1024xf32> to vector<1x1024xf32>
    tpu.vector_store %arg7[%swap3A_29, %swap3A_30], %swap3A_33 {strides = array<i32>} : memref<2x1024xf32, #tpu.memory_space<vmem>>, vector<1x1024xf32>,
    return
  }
  func.func @transform_0(%arg0: i32) -> (i32, i32) {
    %c0_i32 = arith.constant 0 : i32
    %c0_i32_0 = arith.constant 0 : i32
    return %arg0, %c0_i32 : i32, i32
  }
  func.func @transform_1(%arg0: i32) -> (i32, i32) {
    %c0_i32 = arith.constant 0 : i32
    %c0_i32_0 = arith.constant 0 : i32
    return %arg0, %c0_i32 : i32, i32
  }
  func.func @transform_2(%arg0: i32) -> (i32, i32) {
    %c0_i32 = arith.constant 0 : i32
    %c0_i32_0 = arith.constant 0 : i32
    %c0_i32_1 = arith.constant 0 : i32
    return %c0_i32, %c0_i32_0 : i32, i32
  }
  func.func @transform_3(%arg0: i32) -> (i32, i32) {
    %c0_i32 = arith.constant 0 : i32
    %c0_i32_0 = arith.constant 0 : i32
    %c0_i32_1 = arith.constant 0 : i32
    return %c0_i32, %c0_i32_0 : i32, i32
  }
  func.func @transform_4(%arg0: i32) -> (i32, i32) {
    %c0_i32 = arith.constant 0 : i32
    %c0_i32_0 = arith.constant 0 : i32
    %c0_i32_1 = arith.constant 0 : i32
    return %c0_i32, %c0_i32_0 : i32, i32
  }
  func.func @transform_5(%arg0: i32) -> (i32, i32) {
    %c0_i32 = arith.constant 0 : i32
    %c0_i32_0 = arith.constant 0 : i32
    %c0_i32_1 = arith.constant 0 : i32
    return %c0_i32, %c0_i32_0 : i32, i32
  }
  func.func @transform_6(%arg0: i32) -> (i32, i32) {
    %c0_i32 = arith.constant 0 : i32
    %c0_i32_0 = arith.constant 0 : i32
    return %c0_i32, %arg0 : i32, i32
  }
}

module attributes {stable_mosaic.version = 14 : i64} {
  func.func @_q_kernel(%arg0: i32, %arg1: memref<2x1024xf32, #tpu.memory_space<vmem>>, %arg2: memref<32x4x1024xf32, #tpu.memory_space<vmem>>, %arg3: memref<4x1024xf32, #tpu.memory_space<vmem>>) attributes {dimension_semantics = [#tpu.dimension_semantics<arbitrary>], iteration_bounds = array<i64: 10>, scalar_prefetch = 0 : i64, scratch_operands = 0 : i64, tpu.core_type = #tpu.core_type<tc>, window_params = [{transform_indices = @transform_0, window_bounds = array<i64: 2, 1024>}, {transform_indices = @transform_1, window_bounds = array<i64: 32, 4, 1024>}, {transform_indices = @transform_2, window_bounds = array<i64: 4, 1024>}]} {
    %get3A = arith.constant 0 : index
    %get3A_0 = arith.constant 0 : index
    %get3A_1 = arith.constant 0 : index
    %get3A_2 = vector.load %arg2[%get3A, %get3A_0, %get3A_1] : memref<32x4x1024xf32, #tpu.memory_space<vmem>>, vector<32x4x1024xf32>
    %reduce_sum3A = arith.constant dense<0.000000e+00> : vector<4x1024xf32>
    %reduce_sum3A_3 = vector.multi_reduction <add>, %get3A_2, %reduce_sum3A [0] : vector<32x4x1024xf32> to vector<4x1024xf32>
    %max3A = arith.constant 1.000000e+00 : f32
    %max3A_4 = vector.broadcast %max3A : f32 to vector<4x1024xf32>
    %max3A_5 = arith.maximumf %reduce_sum3A_3, %max3A_4 : vector<4x1024xf32>
    %rsqrt3A = math.rsqrt %max3A_5 : vector<4x1024xf32>
    %get3A_6 = arith.constant 0 : index
    %get3A_7 = arith.constant 0 : index
    %get3A_8 = vector.load %arg1[%get3A_6, %get3A_7] : memref<2x1024xf32, #tpu.memory_space<vmem>>, vector<1x1024xf32>
    %get3A_9 = vector.shape_cast %get3A_8 : vector<1x1024xf32> to vector<1024xf32>
    %slice3A = vector.extract_strided_slice %rsqrt3A {offsets = [0, 0], sizes = [1, 1024], strides = [1, 1]} : vector<4x1024xf32> to vector<1x1024xf32>
    %squeeze3A = vector.shape_cast %slice3A : vector<1x1024xf32> to vector<1024xf32>
    %mul3A = arith.mulf %get3A_9, %squeeze3A : vector<1024xf32>
    %swap3A = arith.constant 0 : index
    %swap3A_10 = arith.constant 0 : index
    %swap3A_11 = vector.load %arg3[%swap3A, %swap3A_10] : memref<4x1024xf32, #tpu.memory_space<vmem>>, vector<1x1024xf32>
    %swap3A_12 = vector.shape_cast %swap3A_11 : vector<1x1024xf32> to vector<1024xf32>
    %swap3A_13 = vector.shape_cast %mul3A : vector<1024xf32> to vector<1x1024xf32>
    tpu.vector_store %arg3[%swap3A, %swap3A_10], %swap3A_13 {strides = array<i32>} : memref<4x1024xf32, #tpu.memory_space<vmem>>, vector<1x1024xf32>,
    %get3A_14 = arith.constant 1 : index
    %get3A_15 = arith.constant 0 : index
    %get3A_16 = vector.load %arg1[%get3A_14, %get3A_15] : memref<2x1024xf32, #tpu.memory_space<vmem>>, vector<1x1024xf32>
    %get3A_17 = vector.shape_cast %get3A_16 : vector<1x1024xf32> to vector<1024xf32>
    %slice3A_18 = vector.extract_strided_slice %rsqrt3A {offsets = [2, 0], sizes = [1, 1024], strides = [1, 1]} : vector<4x1024xf32> to vector<1x1024xf32>
    %squeeze3A_19 = vector.shape_cast %slice3A_18 : vector<1x1024xf32> to vector<1024xf32>
    %mul3A_20 = arith.mulf %get3A_17, %squeeze3A_19 : vector<1024xf32>
    %swap3A_21 = arith.constant 1 : index
    %swap3A_22 = arith.constant 0 : index
    %swap3A_23 = vector.load %arg3[%swap3A_21, %swap3A_22] : memref<4x1024xf32, #tpu.memory_space<vmem>>, vector<1x1024xf32>
    %swap3A_24 = vector.shape_cast %swap3A_23 : vector<1x1024xf32> to vector<1024xf32>
    %swap3A_25 = vector.shape_cast %mul3A_20 : vector<1024xf32> to vector<1x1024xf32>
    tpu.vector_store %arg3[%swap3A_21, %swap3A_22], %swap3A_25 {strides = array<i32>} : memref<4x1024xf32, #tpu.memory_space<vmem>>, vector<1x1024xf32>,
    %slice3A_26 = vector.extract_strided_slice %rsqrt3A {offsets = [1, 0], sizes = [1, 1024], strides = [1, 1]} : vector<4x1024xf32> to vector<1x1024xf32>
    %squeeze3A_27 = vector.shape_cast %slice3A_26 : vector<1x1024xf32> to vector<1024xf32>
    %swap3A_28 = arith.constant 2 : index
    %swap3A_29 = arith.constant 0 : index
    %swap3A_30 = vector.load %arg3[%swap3A_28, %swap3A_29] : memref<4x1024xf32, #tpu.memory_space<vmem>>, vector<1x1024xf32>
    %swap3A_31 = vector.shape_cast %swap3A_30 : vector<1x1024xf32> to vector<1024xf32>
    %swap3A_32 = vector.shape_cast %squeeze3A_27 : vector<1024xf32> to vector<1x1024xf32>
    tpu.vector_store %arg3[%swap3A_28, %swap3A_29], %swap3A_32 {strides = array<i32>} : memref<4x1024xf32, #tpu.memory_space<vmem>>, vector<1x1024xf32>,
    %slice3A_33 = vector.extract_strided_slice %rsqrt3A {offsets = [3, 0], sizes = [1, 1024], strides = [1, 1]} : vector<4x1024xf32> to vector<1x1024xf32>
    %squeeze3A_34 = vector.shape_cast %slice3A_33 : vector<1x1024xf32> to vector<1024xf32>
    %swap3A_35 = arith.constant 3 : index
    %swap3A_36 = arith.constant 0 : index
    %swap3A_37 = vector.load %arg3[%swap3A_35, %swap3A_36] : memref<4x1024xf32, #tpu.memory_space<vmem>>, vector<1x1024xf32>
    %swap3A_38 = vector.shape_cast %swap3A_37 : vector<1x1024xf32> to vector<1024xf32>
    %swap3A_39 = vector.shape_cast %squeeze3A_34 : vector<1024xf32> to vector<1x1024xf32>
    tpu.vector_store %arg3[%swap3A_35, %swap3A_36], %swap3A_39 {strides = array<i32>} : memref<4x1024xf32, #tpu.memory_space<vmem>>, vector<1x1024xf32>,
    return
  }
  func.func @transform_0(%arg0: i32) -> (i32, i32) {
    %c0_i32 = arith.constant 0 : i32
    %c0_i32_0 = arith.constant 0 : i32
    return %c0_i32, %arg0 : i32, i32
  }
  func.func @transform_1(%arg0: i32) -> (i32, i32, i32) {
    %c0_i32 = arith.constant 0 : i32
    %c0_i32_0 = arith.constant 0 : i32
    %c0_i32_1 = arith.constant 0 : i32
    return %c0_i32, %c0_i32_0, %arg0 : i32, i32, i32
  }
  func.func @transform_2(%arg0: i32) -> (i32, i32) {
    %c0_i32 = arith.constant 0 : i32
    %c0_i32_0 = arith.constant 0 : i32
    return %c0_i32, %arg0 : i32, i32
  }
}

module attributes {stable_mosaic.version = 14 : i64} {
  func.func @_fin_kernel(%arg0: memref<32x2x10240xf32, #tpu.memory_space<vmem>>, %arg1: memref<4x10240xf32, #tpu.memory_space<vmem>>, %arg2: memref<2x128xf32, #tpu.memory_space<vmem>>, %arg3: memref<2x128xf32, #tpu.memory_space<vmem>>, %arg4: memref<2x128xf32, #tpu.memory_space<vmem>>, %arg5: memref<2x128xf32, #tpu.memory_space<vmem>>, %arg6: memref<1x1xf32, #tpu.memory_space<vmem>>, %arg7: memref<10240xf32, #tpu.memory_space<vmem>>) attributes {dimension_semantics = [], scalar_prefetch = 0 : i64, scratch_operands = 0 : i64, tpu.core_type = #tpu.core_type<tc>} {
    %get3A = arith.constant 0 : index
    %get3A_0 = arith.constant 0 : index
    %get3A_1 = vector.load %arg2[%get3A, %get3A_0] : memref<2x128xf32, #tpu.memory_space<vmem>>, vector<2x128xf32>
    %get3A_2 = arith.constant 0 : index
    %get3A_3 = arith.constant 0 : index
    %get3A_4 = vector.load %arg4[%get3A_2, %get3A_3] : memref<2x128xf32, #tpu.memory_space<vmem>>, vector<2x128xf32>
    %mul3A = arith.mulf %get3A_1, %get3A_4 : vector<2x128xf32>
    %reduce_sum3A = vector.shape_cast %mul3A : vector<2x128xf32> to vector<1x2x128xf32>
    %reduce_sum3A_5 = arith.constant dense<0.000000e+00> : vector<1xf32>
    %reduce_sum3A_6 = vector.multi_reduction <add>, %reduce_sum3A, %reduce_sum3A_5 [1, 2] : vector<1x2x128xf32> to vector<1xf32>
    %reduce_sum3A_7 = vector.shape_cast %reduce_sum3A_6 : vector<1xf32> to vector<1x1x1xf32>
    %reduce_sum3A_8 = vector.extract %reduce_sum3A_7[0, 0, 0] : f32 from vector<1x1x1xf32>
    %get3A_9 = arith.constant 0 : index
    %get3A_10 = arith.constant 0 : index
    %get3A_11 = vector.load %arg3[%get3A_9, %get3A_10] : memref<2x128xf32, #tpu.memory_space<vmem>>, vector<2x128xf32>
    %get3A_12 = arith.constant 0 : index
    %get3A_13 = arith.constant 0 : index
    %get3A_14 = vector.load %arg5[%get3A_12, %get3A_13] : memref<2x128xf32, #tpu.memory_space<vmem>>, vector<2x128xf32>
    %mul3A_15 = arith.mulf %get3A_11, %get3A_14 : vector<2x128xf32>
    %reduce_sum3A_16 = vector.shape_cast %mul3A_15 : vector<2x128xf32> to vector<1x2x128xf32>
    %reduce_sum3A_17 = arith.constant dense<0.000000e+00> : vector<1xf32>
    %reduce_sum3A_18 = vector.multi_reduction <add>, %reduce_sum3A_16, %reduce_sum3A_17 [1, 2] : vector<1x2x128xf32> to vector<1xf32>
    %reduce_sum3A_19 = vector.shape_cast %reduce_sum3A_18 : vector<1xf32> to vector<1x1x1xf32>
    %reduce_sum3A_20 = vector.extract %reduce_sum3A_19[0, 0, 0] : f32 from vector<1x1x1xf32>
    %add3A = arith.addf %reduce_sum3A_8, %reduce_sum3A_20 : f32
    %get3A_21 = arith.constant 0 : index
    %get3A_22 = arith.constant 0 : index
    %get3A_23 = vector.load %arg6[%get3A_21, %get3A_22] : memref<1x1xf32, #tpu.memory_space<vmem>>, vector<1x1xf32>
    %get3A_24 = vector.extract %get3A_23[0, 0] : f32 from vector<1x1xf32>
    %add3A_25 = arith.addf %add3A, %get3A_24 : f32
    %get3A_26 = arith.constant 0 : index
    %get3A_27 = arith.constant 0 : index
    %get3A_28 = arith.constant 0 : index
    %get3A_29 = vector.load %arg0[%get3A_26, %get3A_27, %get3A_28] : memref<32x2x10240xf32, #tpu.memory_space<vmem>>, vector<32x2x10240xf32>
    %reduce_sum3A_30 = arith.constant dense<0.000000e+00> : vector<2x10240xf32>
    %reduce_sum3A_31 = vector.multi_reduction <add>, %get3A_29, %reduce_sum3A_30 [0] : vector<32x2x10240xf32> to vector<2x10240xf32>
    %slice3A = vector.extract_strided_slice %reduce_sum3A_31 {offsets = [0, 0], sizes = [1, 10240], strides = [1, 1]} : vector<2x10240xf32> to vector<1x10240xf32>
    %squeeze3A = vector.shape_cast %slice3A : vector<1x10240xf32> to vector<10240xf32>
    %get3A_32 = arith.constant 2 : index
    %get3A_33 = arith.constant 0 : index
    %get3A_34 = vector.load %arg1[%get3A_32, %get3A_33] : memref<4x10240xf32, #tpu.memory_space<vmem>>, vector<1x10240xf32>
    %get3A_35 = vector.shape_cast %get3A_34 : vector<1x10240xf32> to vector<10240xf32>
    %mul3A_36 = arith.mulf %squeeze3A, %get3A_35 : vector<10240xf32>
    %slice3A_37 = vector.extract_strided_slice %reduce_sum3A_31 {offsets = [1, 0], sizes = [1, 10240], strides = [1, 1]} : vector<2x10240xf32> to vector<1x10240xf32>
    %squeeze3A_38 = vector.shape_cast %slice3A_37 : vector<1x10240xf32> to vector<10240xf32>
    %get3A_39 = arith.constant 3 : index
    %get3A_40 = arith.constant 0 : index
    %get3A_41 = vector.load %arg1[%get3A_39, %get3A_40] : memref<4x10240xf32, #tpu.memory_space<vmem>>, vector<1x10240xf32>
    %get3A_42 = vector.shape_cast %get3A_41 : vector<1x10240xf32> to vector<10240xf32>
    %mul3A_43 = arith.mulf %squeeze3A_38, %get3A_42 : vector<10240xf32>
    %add3A_44 = arith.addf %mul3A_36, %mul3A_43 : vector<10240xf32>
    %add3A_45 = vector.broadcast %add3A_25 : f32 to vector<10240xf32>
    %add3A_46 = arith.addf %add3A_44, %add3A_45 : vector<10240xf32>
    %neg3A = arith.constant 0.000000e+00 : f32
    %neg3A_47 = vector.broadcast %neg3A : f32 to vector<10240xf32>
    %neg3A_48 = arith.subf %neg3A_47, %add3A_46 : vector<10240xf32>
    %exp3A = math.exp %neg3A_48 : vector<10240xf32>
    %add3A_49 = arith.constant 1.000000e+00 : f32
    %add3A_50 = vector.broadcast %add3A_49 : f32 to vector<10240xf32>
    %add3A_51 = arith.addf %add3A_50, %exp3A : vector<10240xf32>
    %div3A = arith.constant 1.000000e+00 : f32
    %div3A_52 = vector.broadcast %div3A : f32 to vector<10240xf32>
    %div3A_53 = arith.divf %div3A_52, %add3A_51 : vector<10240xf32>
    %swap3A = arith.constant 0 : index
    %swap3A_54 = vector.load %arg7[%swap3A] : memref<10240xf32, #tpu.memory_space<vmem>>, vector<10240xf32>
    tpu.vector_store %arg7[%swap3A], %div3A_53 {strides = array<i32>} : memref<10240xf32, #tpu.memory_space<vmem>>, vector<10240xf32>,
    return
  }
}

</mosaic_0001>

<sc_bundles>
// kernel: kernel.10.cloned.1.call-start
scs
__scs_entry_jumppad:
0x0: {  	(pc) =	sbr.rel $0x88, $3  }
0x1: {  	(tag) =	ssettag $0x0;
	lr =	simm.s32 $0x1  }
0x2: {  	[smem:$0x3F97] =	sst lr;
	_ =	strace $0xD0000000  }
0x3: {  	_ = 	snop  }
0x4: {  	_ = 	snop  }
0x5: {  	_ = 	snop  }
0x6: {  	_ = 	snop  }
0x7: {  	_ = 	snop  }
__scs_overlays_trampoline_lowered:
0x8: {  	[smem:$0x3FA6] =	sst s0  }
0x9: {  	[smem:$0x3FA7] =	sst s1  }
0xa: {  	[smem:$0x3FA8] =	sst s2  }
0xb: {  	[smem:$0x3FA9] =	sst s3  }
0xc: {  	[smem:$0x3FAA] =	sst s4  }
0xd: {  	[smem:$0x3FAB] =	sst s5  }
0xe: {  	[smem:$0x3FAC] =	sst s6  }
0xf: {  	[smem:$0x3FAD] =	sst s7  }
0x10: {  	[smem:$0x3FAE] =	sst s8  }
0x11: {  	[smem:$0x3FAF] =	sst s9;
	s0 =	simm.s32 @!p0 $0x0  }
0x12: {  	s1 =	sld [smem:$0x3F95];
	s0 =	simm.s32 @p0 $0x1  }
0x13: {  	[smem:$0x3FB0] =	sst s0;
	s0 =	simm.s32 @!p1 $0x0  }
0x14: {  	s2 =	sld [smem:$0x3F94];
	s0 =	simm.s32 @p1 $0x1  }
0x15: {  	[smem:$0x3FB1] =	sst s0;
	s0 =	simm.s32 @!p2 $0x0  }
0x16: {  	s3 =	sld [smem:$0x3FDB];
	s0 =	simm.s32 @p2 $0x1  }
0x17: {  	s4 =	simm.s32 $0x1BF5;
	[smem:$0x3FB3] =	sst s0  }
0x18: {  	s0 =	sld [smem:$0x3F96];
	_ =	swait.ge [sflag:s4], $0x0  }
0x19: {  	s7 =	sld [smem:$0x3F97]  }
0x1a: {  	s8 =	sadd.s32 $0xFFFFE003, lr  }
0x1b: {  	s9 =	sadd.s32 $0xFFFFFEF7, lr;
	s5 =	simm.s32 $0xFFFFFFFF;
	p2 =	slt.u32 s8, $0xFFFFF086  }
0x1c: {  	p1 =	slt.u32 s9, $0xF7A;
	s5 =	simm.s32 @!p2 $0x0  }
0x1d: {  	s5 =	simm.s32 @p1 $0x1;
	p0 =	seq.s32 s7, s2  }
0x1e: {  	s7 =	smul.u32 @!p0 $0xF7A, s2;
	p2 =	seq.s32 @!p0 s5, $0x0  }
0x1f: {  	s9 =	smul.u32 $0xF7A, s1;
	s8 =	simm.s32 @!p0 $0x1BF5;
	p2 =	por !p2, p0  }
0x20: {  	[sflag:s8] =	ssyncset.s32 @!p0 $0xFFFFF086;
	s6 =	sadd.s32 @!p0 s3, s7;
	s7 =	simm.s32 @!p0 $0x108  }
0x21: {  	s3 =	sadd.s32 s3, s9;
	s6 =	sadd.s32 @!p0 $0x88, s6;
	s7 =	simm.s32 @p2 $0x1082  }
0x22: {  	[simem:s7], [sflag:s8] =	dma.local @!p0 [hbm:s6], $0xF7A  }
0x23: {  	s9 =	sor.u32 $0xD0000000, s2;
	s6 =	simm.s32 $0x108;
	_ =	swait.ge @!p0 [sflag:s8], $0x0  }
0x24: {  	s3 =	sadd.s32 $0x88, s3;
	s6 =	simm.s32 @!p1 $0x1082;
	[sflag:s4] =	ssyncset.s32 $0xFFFFF086  }
0x25: {  	[simem:s6], [sflag:s4] =	dma.local [hbm:s3], $0xF7A  }
0x26: {  	[smem:$0x3F97] =	sst s1;
	(tag) =	ssettag s2;
	_ =	strace s9  }
0x27: {  	s1 =	sld [smem:$0x3FA7]  }
0x28: {  	s2 =	sld [smem:$0x3FA8]  }
0x29: {  	s4 =	sld [smem:$0x3FAA]  }
0x2a: {  	p0 =	seq.s32 s5, $0x0;
	s5 =	sld [smem:$0x3FAB]  }
0x2b: {  	s6 =	sld [smem:$0x3FAC]  }
0x2c: {  	s7 =	sld [smem:$0x3FAD]  }
0x2d: {  	s3 =	simm.s32 $0x108;
	s8 =	sld [smem:$0x3FAE]  }
0x2e: {  	s3 =	simm.s32 @!p0 $0x1082;
	s9 =	sld [smem:$0x3FAF]  }
0x2f: {  	lr =	sadd.s32 s0, s3;
	s0 =	sld [smem:$0x3FA6]  }
0x30: {  	s3 =	sld [smem:$0x3FA9]  }
0x31: {  	[smem:$0x3FB2] =	sst s10  }
0x32: {  	s10 =	sld [smem:$0x3FB0];
	_ =	sdelay $0x3  }
0x33: {  	p0 =	seq.s32 s10, $0x1;
	s10 =	sld [smem:$0x3FB2];
	_ =	sdelay $0x3  }
0x34: {  	[smem:$0x3FB2] =	sst s10  }
0x35: {  	s10 =	sld [smem:$0x3FB1];
	_ =	sdelay $0x3  }
0x36: {  	p1 =	seq.s32 s10, $0x1;
	s10 =	sld [smem:$0x3FB2];
	_ =	sdelay $0x3  }
0x37: {  	[smem:$0x3FB2] =	sst s10  }
0x38: {  	s10 =	sld [smem:$0x3FB3]  }
0x39: {  	_ = 	snop;
	(pc) =	sbr.ind lr, $3  }
0x3a: {  	_ = 	snop  }
0x3b: {  	_ = 	snop  }
0x3c: {  	p2 =	seq.s32 s10, $0x1;
	s10 =	sld [smem:$0x3FB2]  }
0x3d: {  	_ =	shalt  }
0x3e: {  	_ =	shalt  }
0x3f: {  	_ =	shalt  }
0x40: {  	_ =	shalt  }
0x41: {  	_ =	shalt  }
0x42: {  	_ =	shalt  }
0x43: {  	_ =	shalt  }
0x44: {  	_ =	shalt  }
0x45: {  	_ =	shalt  }
0x46: {  	_ =	shalt  }
0x47: {  	_ =	shalt  }
0x48: {  	_ =	shalt  }
0x49: {  	_ =	shalt  }
0x4a: {  	_ =	shalt  }
0x4b: {  	_ =	shalt  }
0x4c: {  	_ =	shalt  }
0x4d: {  	_ =	shalt  }
0x4e: {  	_ =	shalt  }
0x4f: {  	_ =	shalt  }
0x50: {  	_ =	shalt  }
0x51: {  	_ =	shalt  }
0x52: {  	_ =	shalt  }
0x53: {  	_ =	shalt  }
0x54: {  	_ =	shalt  }
0x55: {  	_ =	shalt  }
0x56: {  	_ =	shalt  }
0x57: {  	_ =	shalt  }
0x58: {  	_ =	shalt  }
0x59: {  	_ =	shalt  }
0x5a: {  	_ =	shalt  }
0x5b: {  	_ =	shalt  }
0x5c: {  	_ =	shalt  }
0x5d: {  	_ =	shalt  }
0x5e: {  	_ =	shalt  }
0x5f: {  	_ =	shalt  }
0x60: {  	_ =	shalt  }
0x61: {  	_ =	shalt  }
0x62: {  	_ =	shalt  }
0x63: {  	_ =	shalt  }
0x64: {  	_ =	shalt  }
0x65: {  	_ =	shalt  }
0x66: {  	_ =	shalt  }
0x67: {  	_ =	shalt  }
0x68: {  	_ =	shalt  }
0x69: {  	_ =	shalt  }
0x6a: {  	_ =	shalt  }
0x6b: {  	_ =	shalt  }
0x6c: {  	_ =	shalt  }
0x6d: {  	_ =	shalt  }
0x6e: {  	_ =	shalt  }
0x6f: {  	_ =	shalt  }
0x70: {  	_ =	shalt  }
0x71: {  	_ =	shalt  }
0x72: {  	_ =	shalt  }
0x73: {  	_ =	shalt  }
0x74: {  	_ =	shalt  }
0x75: {  	_ =	shalt  }
0x76: {  	_ =	shalt  }
0x77: {  	_ =	shalt  }
0x78: {  	_ =	shalt  }
0x79: {  	_ =	shalt  }
0x7a: {  	_ =	shalt  }
0x7b: {  	_ =	shalt  }
0x7c: {  	_ =	shalt  }
0x7d: {  	_ =	shalt  }
0x7e: {  	_ =	shalt  }
0x7f: {  	_ =	shalt  }
0x80: {  	_ =	shalt  }
0x81: {  	_ =	shalt  }
0x82: {  	_ =	shalt  }
0x83: {  	_ =	shalt  }
0x84: {  	_ =	shalt  }
0x85: {  	_ =	shalt  }
0x86: {  	_ =	shalt  }
0x87: {  	_ =	shalt  }
.Lfunc_end0:
.L_simem_size_0:
called_computation.1_lowered:
.L_overlay_start_0:
0x88: {  	s2 =	sld [smem:$0x3FD9]  }
0x89: {  	s3 =	sld [smem:$0x3FFE];
	_ =	sdelay $0x1  }
0x8a: {  	s1 =	srdreg.scid  }
0x8b: {  	s0 =	sand.u32 $0x1, s1  }
0x8c: {  	s16 =	sshll.u32 s0, $0xA;
	s2 =	sadd.s32 s3, s2  }
0x8d: {  	s2 =	sadd.s32 s2, s16  }
0x8e: {  	[smem:$0x3FBE] =	sst s2  }
0x8f: {  	_ = 	snop  }
0x90: {  	(tm) =	ssettm $0x1  }
0x91: {  	s17 =	sld [smem:$0x3FFB];
	_ =	sdelay $0x3  }
0x92: {  	_ =	strace s17  }
0x93: {  	s2 =	sld [smem:$0x3FFC];
	_ =	sdelay $0x3  }
0x94: {  	_ =	strace s2  }
0x95: {  	s2 =	sld [smem:$0x3FFD];
	_ =	sdelay $0x3  }
0x96: {  	_ =	strace s2  }
0x97: {  	_ =	strace $0x8FFFFFFF  }
0x98: {  	s18 =	sld [smem:$0x3FDB];
	_ =	sdelay $0x1  }
0x99: {  	s19 =	simm.s32 $_scs_section_size  }
0x9a: {  	s4 =	simm.s32 $_size__tile_overlayer_lowered;
	s5 =	simm.s32 $_tile_overlayer_lowered  }
0x9b: {  	s22 =	simm.s32 $0x1BFF;
	s21 =	sshll.u32 s5, $0x1;
	s2 =	sadd.s32 s19, s18  }
0x9c: {  	s6 =	simm.s32 $0x0;
	s20 =	sshll.u32 s4, $0x1;
	s4 =	sadd.s32 s21, s2  }
0x9d: {  	[timem:s6], [sflag:s22] =	dma.local [hbm:s4], s20  }
0x9e: {  	_ =	swait.ge [sflag:s22], s20  }
0x9f: {  	s3 =	ssub.s32 $0x0, s20;
	[sflag:s22] =	ssyncset.done $0x0  }
0xa0: {  	[sflag:s22] =	ssyncadd.s32 s3;
	_ =	sdelay $0x1  }
0xa1: {  	s23 =	simm.s32 $0x1B8B  }
0xa2: {  	_ =	swait.ge [sflag:s23], $0x1  }
0xa3: {  	[sflag:s23] =	ssyncset.done $0x0  }
0xa4: {  	s25 =	simm.s32 $0x1B8E;
	s24 =	sld [smem:$0x3FFE];
	[sflag:s23] =	ssyncadd.s32 $0xFFFFFFFF  }
0xa5: {  	s26 =	simm.s32 $execute0_lowered;
	[smem:$0x3FD2] =	sst s25  }
0xa6: {  	s4 =	sshll.u32 s26, $0x1;
	_ =	strace $0x80000049;
	[dreg:$0x1] =	wrdreg $0xFFFFFFFF  }
0xa7: {  	s28 =	simm.s32 $_size_execute0_lowered;
	s2 =	sadd.s32 s2, s4;
	[dreg:$0x0] =	wrdreg $0x0  }
0xa8: {  	s4 =	sshll.u32 s28, $0x1;
	[dreg:$0x2] =	wrdreg s2  }
0xa9: {  	[dreg:$0x3] =	wrdreg s4  }
0xaa: {  	[dreg:$0x4] =	wrdreg $0xC0  }
0xab: {  	_ =	task [dreg:s6], $0x5FFFF  }
0xac: {  	[dreg:$0x1] =	wrdreg $0xFFFFFFFF  }
0xad: {  	[dreg:$0x0] =	wrdreg $0x60  }
0xae: {  	[dreg:$0x2] =	wrdreg s24  }
0xaf: {  	[dreg:$0x3] =	wrdreg $0x9  }
0xb0: {  	_ =	task.clear_ibuf [dreg:s6], $0x4FFFF;
	_ =	strace $0x90000049  }
0xb1: {  	s29 =	simm.s32 $0x9;
	_ =	strace $0x8000004B  }
0xb2: {  	_ =	swait.ge [sflag:s29], $0x1  }
0xb3: {  	[sflag:s29] =	ssyncadd.s32 $0xFFFFFFFF  }
0xb4: {  	_ =	strace $0x9000004B  }
0xb5: {  	_ =	sfence  }
0xb6: {  	s30 =	sld [smem:$0x0];
	_ =	sdelay $0x2  }
0xb7: {  	s31 =	sshll.u32 s1, $0xD;
	s1 =	sshrl.u32 s1, $0x2  }
0xb8: {  	s3 =	sand.u32 $0x4000, s31;
	s1 =	sadd.s32 s1, s30  }
0xb9: {  	s0 =	sor.u32 s3, s0;
	s1 =	sshll.u32 s1, $0x11  }
0xba: {  	s0 =	sor.u32 s1, s0  }
0xbb: {  	s0 =	sadd.s32 $0x8F2B, s0  }
0xbc: {  	[sflag:s0] =	ssyncadd.remote.s32 $0x1  }
0xbd: {  	_ =	sfence.sel $0xFFFF  }
0xbe: {  	[dreg:$0x0] =	wrdreg $0xFFFFFFFF;
	(pc) =	sbr.abs _section_cstart, $3  }
0xbf: {  	[dreg:$0x1] =	wrdreg $0xFFFFFFFF  }
0xc0: {  	_ =	task.clear_ibuf [dreg:s6], $0x2FFFF;
	_ =	strace $0x9FFFFFFF  }
0xc1: {  	(tm) =	ssettm $0x7FFFFFFF  }
tec
execute0_lowered:
.L_overlay_start_1:
0x0: {  	(tag) =	ssettag $0x1  }
0x1: {  	s8 =	rddreg [dreg:$0x0]  }
0x2: {  	s0 =	rddreg [dreg:$0x1]  }
0x3: {  	s3 =	srdreg.scid;
	s1 =	stileid.u32  }
0x4: {  	s2 =	simm.s32 $0x0;
	s13 =	simm.s32 $0x400;
	s14 =	simm.s32 $0x2800  }
0x5: {  	s15 =	simm.s32 $0x100;
	s16 =	simm.s32 $0x5000;
	s17 =	simm.s32 $0x1400  }
0x6: {  	s18 =	simm.s32 $0x3C00;
	s19 =	simm.s32 $0x7800;
	s20 =	simm.s32 $0x1  }
0x7: {  	s21 =	simm.s32 $0xA000;
	s22 =	simm.s32 $0xC800;
	s23 =	simm.s32 $0x2  }
0x8: {  	s4 =	sand.u32 $0x1, s3;
	s26 =	sshll.u32 s1, $0x1;
	[smem:$0x7FF] =	sst s2  }
0x9: {  	s28 =	sshrl.u32 s1, $0x2;
	s3 =	sadd.s32 $0x16400, s8;
	s9 =	sadd.s32 $0x2400, s8  }
0xa: {  	s5 =	sor.u32 s4, s26;
	s6 =	smul.u32 $0xA000, s28;
	s4 =	ssub.s32 $0x2, s4  }
0xb: {  	s7 =	sshll.u32 s5, $0x7;
	s5 =	smul.u32 $0xA00, s5;
	s29 =	sshrl.u32 s4, $0x1  }
0xc: {  	_ =	strace $0x8000004A;
	s7 =	sand.u32 $0x380, s7;
	s11 =	ssub.s32 s4, s29  }
0xd: {  	s6 =	sor.u32 s6, s7;
	s10 =	sadd.s32 s5, s8;
	s8 =	sadd.s32 $0x16410, s8  }
0xe: {  	s11 =	smax.u32 s11, $0x1;
	s7 =	sshrl.u32 s6, $0x3;
	s30 =	sadd.s32 $0x28000, s6  }
0xf: {  	s31 =	sadd.s32 $0x50000, s6;
	s6 =	sadd.s32 $0x78000, s6;
	s4 =	sadd.s32 s9, s7  }
0x10: {  	s5 =	sshrl.u32 s30, $0x3;
	s7 =	sshrl.u32 s31, $0x3;
	s12 =	sshrl.u32 s6, $0x3  }
0x11: {  	s5 =	sadd.s32 s9, s5;
	s6 =	sadd.s32 s9, s7;
	s7 =	sadd.s32 s9, s12  }
0x12: {  	v0 =	vimm.f32 $0.0e+00;
	s9 =	sadd.s32 $0x16E00, s10;
	s10 =	sadd.s32 $0x16E10, s10;
	s12 =	simm.s32 $0x80  }
.LBB2_1:
0x13: {  	s24 =	simm.s32 $0x40;
	s25 =	simm.s32 $0x0  }
.LBB2_2:
0x14: {  	p0 =	sne.s32 s24, $0x9FC0;
	[tilespmem:s25+$0xA000] =	vst v0;
	s26 =	smov.u32 s24;
	s24 =	sadd.s32 $0x40, s24  }
.Ltmp0:
0x15: {  	[tilespmem:s25+$0xC800] =	vst v0;
	(pc) =	sbr.rel @p0 .LBB2_2-.Ltmp0, $2  }
0x16: {  	_ =	sdelay $0x2  }
0x17: {  	s25 =	sshra.s32 s26, $0x2  }
0x18: {  	[tilespmem:s25+$0xA000] =	vst v0  }
0x19: {  	[tilespmem:s25+$0xC800] =	vst v0;
	s24 =	simm.s32 $0x0  }
0x1a: {  	[tilespmem:s24], [sflag:$0x1] =	stream.strided.gather [hbm4b:s4+s12], $0x1400, s13, s12, $0x38;
	[tilespmem:$0xF000] =	vst v63  }
0x1b: {  	_ = 	snop  }
0x1c: {  	[tilespmem:s14], [sflag:$0x1] =	stream.strided.gather [hbm4b:s5+s12], $0x1400, s13, s12, $0x38;
	[tilespmem:$0xF000] =	vst v63  }
0x1d: {  	_ = 	snop  }
0x1e: {  	[tilespmem:s16], [sflag:$0x1] =	stream.strided.gather [hbm4b:s3+s12], $0x2800, s15, s12, $0x38;
	[tilespmem:$0xF000] =	vst v63  }
0x1f: {  	_ = 	snop  }
0x20: {  	[tilespmem:s17], [sflag:$0x1] =	stream.strided.gather [hbm4b:s6+s12], $0x1400, s13, s12, $0x38;
	[tilespmem:$0xF000] =	vst v63  }
0x21: {  	_ = 	snop  }
0x22: {  	[tilespmem:s18], [sflag:$0x1] =	stream.strided.gather [hbm4b:s7+s12], $0x1400, s13, s12, $0x38;
	[tilespmem:$0xF000] =	vst v63  }
0x23: {  	_ = 	snop  }
0x24: {  	[tilespmem:s19], [sflag:$0x1] =	stream.strided.gather [hbm4b:s8+s12], $0x2800, s15, s12, $0x38;
	[tilespmem:$0xF000] =	vst v63  }
0x25: {  	_ =	swait.ge [sflag:s20], $0x1400  }
0x26: {  	[sflag:s20] =	ssyncset.done $0x0  }
0x27: {  	[sflag:s20] =	ssyncadd.s32 $0xFFFFEC00  }
0x28: {  	_ =	swait.ge [sflag:s20], $0x1400  }
0x29: {  	[sflag:s20] =	ssyncset.done $0x0  }
0x2a: {  	[sflag:s20] =	ssyncadd.s32 $0xFFFFEC00  }
0x2b: {  	_ =	swait.ge [sflag:s20], $0x2800  }
0x2c: {  	[sflag:s20] =	ssyncset.done $0x0  }
0x2d: {  	[sflag:s20] =	ssyncadd.s32 $0xFFFFD800  }
0x2e: {  	_ =	swait.ge [sflag:s20], $0x1400  }
0x2f: {  	[sflag:s20] =	ssyncset.done $0x0  }
0x30: {  	[sflag:s20] =	ssyncadd.s32 $0xFFFFEC00  }
0x31: {  	_ =	swait.ge [sflag:s20], $0x1400  }
0x32: {  	[sflag:s20] =	ssyncset.done $0x0  }
0x33: {  	[sflag:s20] =	ssyncadd.s32 $0xFFFFEC00  }
0x34: {  	_ =	swait.ge [sflag:s20], $0x2800  }
0x35: {  	[sflag:s20] =	ssyncset.done $0x0  }
0x36: {  	[sflag:s20] =	ssyncadd.s32 $0xFFFFD800  }
.LBB2_4:
0x37: {  	s25 =	sshra.s32 s24, $0x2  }
0x38: {  	v1 =	vld [tilespmem:s25+$0x0];
	_ =	sdelay $0x4  }
0x39: {  	v2 =	vld [tilespmem:s25+$0x2800];
	_ =	sdelay $0x2  }
0x3a: {  	v1 =	vld.idx.msk [tilespmem:v1+s16+$0x0], $0xffff;
	_ =	sdelay $0x4  }
0x3b: {  	[tilespmem:v2+s21+$0x0] =	vst.idx.add.f32.msk $0xffff, v1  }
0x3c: {  	v1 =	vld [tilespmem:s25+$0x1400];
	_ =	sdelay $0x4  }
0x3d: {  	v2 =	vld [tilespmem:s25+$0x3C00];
	_ =	sdelay $0x2  }
0x3e: {  	v1 =	vld.idx.msk [tilespmem:v1+s19+$0x0], $0xffff;
	_ =	sdelay $0x4  }
0x3f: {  	[tilespmem:v2+s22+$0x0] =	vst.idx.add.f32.msk $0xffff, v1  }
0x40: {  	v1 =	vld [tilespmem:s25+$0x10];
	_ =	sdelay $0x4  }
0x41: {  	v2 =	vld [tilespmem:s25+$0x2810];
	_ =	sdelay $0x2  }
0x42: {  	v1 =	vld.idx.msk [tilespmem:v1+s16+$0x0], $0xffff;
	_ =	sdelay $0x4  }
0x43: {  	[tilespmem:v2+s21+$0x0] =	vst.idx.add.f32.msk $0xffff, v1  }
0x44: {  	v1 =	vld [tilespmem:s25+$0x1410];
	_ =	sdelay $0x4  }
0x45: {  	v2 =	vld [tilespmem:s25+$0x3C10];
	_ =	sdelay $0x2  }
0x46: {  	p0 =	sne.s32 s24, $0x4F80;
	v1 =	vld.idx.msk [tilespmem:v1+s19+$0x0], $0xffff  }
.Ltmp1:
0x47: {  	_ = 	snop;
	(pc) =	sbr.rel @p0 .LBB2_4-.Ltmp1, $2  }
0x48: {  	_ =	sdelay $0x2  }
0x49: {  	s24 =	sadd.s32 $0x80, s24;
	[tilespmem:v2+s22+$0x0] =	vst.idx.add.f32.msk $0xffff, v1  }
0x4a: {  	[bflag:$0x0] =	sbarrier.arrive $0xFFFF  }
0x4b: {  	[hbm4b:s9+s12] =	stream.strided.scatter [tilespmem:s21], [sflag:$0x2], $0x2800, s15, s12, $0x38;
	[tilespmem:$0xF000] =	vst v63  }
0x4c: {  	s2 =	sadd.s32 $0x1, s2;
	_ =	swait.ge [sflag:s23], $0x2800  }
0x4d: {  	p0 =	sne.s32 s2, s11;
	[sflag:s23] =	ssyncset.done $0x0  }
.Ltmp2:
0x4e: {  	[sflag:s23] =	ssyncadd.s32 $0xFFFFD800;
	(pc) =	sbr.rel @p0 .LBB2_1-.Ltmp2, $4  }
0x4f: {  	[hbm4b:s10+s12] =	stream.strided.scatter [tilespmem:s22], [sflag:$0x2], $0x2800, s15, s12, $0x38;
	[tilespmem:$0xF000] =	vst v63  }
0x50: {  	_ =	swait.ge [sflag:s23], $0x2800  }
0x51: {  	[sflag:s23] =	ssyncset.done $0x0  }
0x52: {  	[sflag:s23] =	ssyncadd.s32 $0xFFFFD800  }
0x53: {  	_ =	sfence.sel $0x180000  }
0x54: {  	[bflag:$0x0] =	sbarrier.arrive $0xFFFF  }
0x55: {  	p0 =	sne.s32 s1, $0x0;
	_ =	strace $0x9000004A  }
0x56: {  	s0 =	sadd.s32 @!p0 $0x100000, s0;
	[bflag:$0x2] =	sbarrier.arrive $0xFFFF  }
0x57: {  	[sflag:s0] =	ssyncadd.tile.s32 @!p0 $0x1;
	_ =	shalt  }
.Lfunc_end2:
_tile_overlayer_lowered:
.L_overlay_start_2:
0x58: {  	(tag) =	ssettag $0x2  }
0x59: {  	s0 =	rddreg [dreg:$0x0];
	s2 =	stileid.u32  }
0x5a: {  	s1 =	rddreg [dreg:$0x1];
	p0 =	sne.s32 s2, $0x0  }
0x5b: {  	s3 =	rddreg [dreg:$0x2];
	[bflag:$0x3] =	sbarrier.arrive $0xFFFF;
	s2 =	simm.s32 @!p0 $0x1C02  }
0x5c: {  	[timem:s3], [sflag:s2] =	dma.local @!p0 [hbm:s0], s1  }
0x5d: {  	s0 =	simm.s32 @!p0 $0x2  }
0x5e: {  	_ =	swait.ge @!p0 [sflag:s0], s1  }
0x5f: {  	s1 =	ssub.s32 @!p0 $0x0, s1;
	[sflag:s0] =	ssyncset.done @!p0 $0x0  }
0x60: {  	[sflag:s0] =	ssyncadd.s32 @!p0 s1  }
0x61: {  	[bflag:$0x3] =	sbarrier.arrive $0xFFFF  }
0x62: {  	_ =	shalt  }

// kernel: kernel.7.cloned.1.call-start
scs
__scs_entry_jumppad:
0x0: {  	(pc) =	sbr.rel $0x88, $3  }
0x1: {  	(tag) =	ssettag $0x0;
	lr =	simm.s32 $0x1  }
0x2: {  	[smem:$0x3F97] =	sst lr;
	_ =	strace $0xD0000000  }
0x3: {  	_ = 	snop  }
0x4: {  	_ = 	snop  }
0x5: {  	_ = 	snop  }
0x6: {  	_ = 	snop  }
0x7: {  	_ = 	snop  }
__scs_overlays_trampoline_lowered:
0x8: {  	[smem:$0x3FA6] =	sst s0  }
0x9: {  	[smem:$0x3FA7] =	sst s1  }
0xa: {  	[smem:$0x3FA8] =	sst s2  }
0xb: {  	[smem:$0x3FA9] =	sst s3  }
0xc: {  	[smem:$0x3FAA] =	sst s4  }
0xd: {  	[smem:$0x3FAB] =	sst s5  }
0xe: {  	[smem:$0x3FAC] =	sst s6  }
0xf: {  	[smem:$0x3FAD] =	sst s7  }
0x10: {  	[smem:$0x3FAE] =	sst s8  }
0x11: {  	[smem:$0x3FAF] =	sst s9;
	s0 =	simm.s32 @!p0 $0x0  }
0x12: {  	s1 =	sld [smem:$0x3F95];
	s0 =	simm.s32 @p0 $0x1  }
0x13: {  	[smem:$0x3FB0] =	sst s0;
	s0 =	simm.s32 @!p1 $0x0  }
0x14: {  	s2 =	sld [smem:$0x3F94];
	s0 =	simm.s32 @p1 $0x1  }
0x15: {  	[smem:$0x3FB1] =	sst s0;
	s0 =	simm.s32 @!p2 $0x0  }
0x16: {  	s3 =	sld [smem:$0x3FDB];
	s0 =	simm.s32 @p2 $0x1  }
0x17: {  	s4 =	simm.s32 $0x1BF5;
	[smem:$0x3FB3] =	sst s0  }
0x18: {  	s0 =	sld [smem:$0x3F96];
	_ =	swait.ge [sflag:s4], $0x0  }
0x19: {  	s7 =	sld [smem:$0x3F97]  }
0x1a: {  	s8 =	sadd.s32 $0xFFFFE003, lr  }
0x1b: {  	s9 =	sadd.s32 $0xFFFFFEF7, lr;
	s5 =	simm.s32 $0xFFFFFFFF;
	p2 =	slt.u32 s8, $0xFFFFF086  }
0x1c: {  	p1 =	slt.u32 s9, $0xF7A;
	s5 =	simm.s32 @!p2 $0x0  }
0x1d: {  	s5 =	simm.s32 @p1 $0x1;
	p0 =	seq.s32 s7, s2  }
0x1e: {  	s7 =	smul.u32 @!p0 $0xF7A, s2;
	p2 =	seq.s32 @!p0 s5, $0x0  }
0x1f: {  	s9 =	smul.u32 $0xF7A, s1;
	s8 =	simm.s32 @!p0 $0x1BF5;
	p2 =	por !p2, p0  }
0x20: {  	[sflag:s8] =	ssyncset.s32 @!p0 $0xFFFFF086;
	s6 =	sadd.s32 @!p0 s3, s7;
	s7 =	simm.s32 @!p0 $0x108  }
0x21: {  	s3 =	sadd.s32 s3, s9;
	s6 =	sadd.s32 @!p0 $0x88, s6;
	s7 =	simm.s32 @p2 $0x1082  }
0x22: {  	[simem:s7], [sflag:s8] =	dma.local @!p0 [hbm:s6], $0xF7A  }
0x23: {  	s9 =	sor.u32 $0xD0000000, s2;
	s6 =	simm.s32 $0x108;
	_ =	swait.ge @!p0 [sflag:s8], $0x0  }
0x24: {  	s3 =	sadd.s32 $0x88, s3;
	s6 =	simm.s32 @!p1 $0x1082;
	[sflag:s4] =	ssyncset.s32 $0xFFFFF086  }
0x25: {  	[simem:s6], [sflag:s4] =	dma.local [hbm:s3], $0xF7A  }
0x26: {  	[smem:$0x3F97] =	sst s1;
	(tag) =	ssettag s2;
	_ =	strace s9  }
0x27: {  	s1 =	sld [smem:$0x3FA7]  }
0x28: {  	s2 =	sld [smem:$0x3FA8]  }
0x29: {  	s4 =	sld [smem:$0x3FAA]  }
0x2a: {  	p0 =	seq.s32 s5, $0x0;
	s5 =	sld [smem:$0x3FAB]  }
0x2b: {  	s6 =	sld [smem:$0x3FAC]  }
0x2c: {  	s7 =	sld [smem:$0x3FAD]  }
0x2d: {  	s3 =	simm.s32 $0x108;
	s8 =	sld [smem:$0x3FAE]  }
0x2e: {  	s3 =	simm.s32 @!p0 $0x1082;
	s9 =	sld [smem:$0x3FAF]  }
0x2f: {  	lr =	sadd.s32 s0, s3;
	s0 =	sld [smem:$0x3FA6]  }
0x30: {  	s3 =	sld [smem:$0x3FA9]  }
0x31: {  	[smem:$0x3FB2] =	sst s10  }
0x32: {  	s10 =	sld [smem:$0x3FB0];
	_ =	sdelay $0x3  }
0x33: {  	p0 =	seq.s32 s10, $0x1;
	s10 =	sld [smem:$0x3FB2];
	_ =	sdelay $0x3  }
0x34: {  	[smem:$0x3FB2] =	sst s10  }
0x35: {  	s10 =	sld [smem:$0x3FB1];
	_ =	sdelay $0x3  }
0x36: {  	p1 =	seq.s32 s10, $0x1;
	s10 =	sld [smem:$0x3FB2];
	_ =	sdelay $0x3  }
0x37: {  	[smem:$0x3FB2] =	sst s10  }
0x38: {  	s10 =	sld [smem:$0x3FB3]  }
0x39: {  	_ = 	snop;
	(pc) =	sbr.ind lr, $3  }
0x3a: {  	_ = 	snop  }
0x3b: {  	_ = 	snop  }
0x3c: {  	p2 =	seq.s32 s10, $0x1;
	s10 =	sld [smem:$0x3FB2]  }
0x3d: {  	_ =	shalt  }
0x3e: {  	_ =	shalt  }
0x3f: {  	_ =	shalt  }
0x40: {  	_ =	shalt  }
0x41: {  	_ =	shalt  }
0x42: {  	_ =	shalt  }
0x43: {  	_ =	shalt  }
0x44: {  	_ =	shalt  }
0x45: {  	_ =	shalt  }
0x46: {  	_ =	shalt  }
0x47: {  	_ =	shalt  }
0x48: {  	_ =	shalt  }
0x49: {  	_ =	shalt  }
0x4a: {  	_ =	shalt  }
0x4b: {  	_ =	shalt  }
0x4c: {  	_ =	shalt  }
0x4d: {  	_ =	shalt  }
0x4e: {  	_ =	shalt  }
0x4f: {  	_ =	shalt  }
0x50: {  	_ =	shalt  }
0x51: {  	_ =	shalt  }
0x52: {  	_ =	shalt  }
0x53: {  	_ =	shalt  }
0x54: {  	_ =	shalt  }
0x55: {  	_ =	shalt  }
0x56: {  	_ =	shalt  }
0x57: {  	_ =	shalt  }
0x58: {  	_ =	shalt  }
0x59: {  	_ =	shalt  }
0x5a: {  	_ =	shalt  }
0x5b: {  	_ =	shalt  }
0x5c: {  	_ =	shalt  }
0x5d: {  	_ =	shalt  }
0x5e: {  	_ =	shalt  }
0x5f: {  	_ =	shalt  }
0x60: {  	_ =	shalt  }
0x61: {  	_ =	shalt  }
0x62: {  	_ =	shalt  }
0x63: {  	_ =	shalt  }
0x64: {  	_ =	shalt  }
0x65: {  	_ =	shalt  }
0x66: {  	_ =	shalt  }
0x67: {  	_ =	shalt  }
0x68: {  	_ =	shalt  }
0x69: {  	_ =	shalt  }
0x6a: {  	_ =	shalt  }
0x6b: {  	_ =	shalt  }
0x6c: {  	_ =	shalt  }
0x6d: {  	_ =	shalt  }
0x6e: {  	_ =	shalt  }
0x6f: {  	_ =	shalt  }
0x70: {  	_ =	shalt  }
0x71: {  	_ =	shalt  }
0x72: {  	_ =	shalt  }
0x73: {  	_ =	shalt  }
0x74: {  	_ =	shalt  }
0x75: {  	_ =	shalt  }
0x76: {  	_ =	shalt  }
0x77: {  	_ =	shalt  }
0x78: {  	_ =	shalt  }
0x79: {  	_ =	shalt  }
0x7a: {  	_ =	shalt  }
0x7b: {  	_ =	shalt  }
0x7c: {  	_ =	shalt  }
0x7d: {  	_ =	shalt  }
0x7e: {  	_ =	shalt  }
0x7f: {  	_ =	shalt  }
0x80: {  	_ =	shalt  }
0x81: {  	_ =	shalt  }
0x82: {  	_ =	shalt  }
0x83: {  	_ =	shalt  }
0x84: {  	_ =	shalt  }
0x85: {  	_ =	shalt  }
0x86: {  	_ =	shalt  }
0x87: {  	_ =	shalt  }
.Lfunc_end0:
.L_simem_size_0:
called_computation_lowered:
.L_overlay_start_0:
0x88: {  	s2 =	sld [smem:$0x3FD9]  }
0x89: {  	s3 =	sld [smem:$0x3FFE];
	_ =	sdelay $0x1  }
0x8a: {  	s1 =	srdreg.scid  }
0x8b: {  	s0 =	sand.u32 $0x1, s1  }
0x8c: {  	s16 =	sshll.u32 s0, $0xA;
	s2 =	sadd.s32 s3, s2  }
0x8d: {  	s2 =	sadd.s32 s2, s16  }
0x8e: {  	[smem:$0x3FBE] =	sst s2  }
0x8f: {  	_ = 	snop  }
0x90: {  	(tm) =	ssettm $0x1  }
0x91: {  	s17 =	sld [smem:$0x3FFB];
	_ =	sdelay $0x3  }
0x92: {  	_ =	strace s17  }
0x93: {  	s2 =	sld [smem:$0x3FFC];
	_ =	sdelay $0x3  }
0x94: {  	_ =	strace s2  }
0x95: {  	s2 =	sld [smem:$0x3FFD];
	_ =	sdelay $0x3  }
0x96: {  	_ =	strace s2  }
0x97: {  	_ =	strace $0x8FFFFFFF  }
0x98: {  	s18 =	sld [smem:$0x3FDB];
	_ =	sdelay $0x1  }
0x99: {  	s19 =	simm.s32 $_scs_section_size  }
0x9a: {  	s4 =	simm.s32 $_size__tile_overlayer_lowered;
	s5 =	simm.s32 $_tile_overlayer_lowered  }
0x9b: {  	s22 =	simm.s32 $0x1BFF;
	s21 =	sshll.u32 s5, $0x1;
	s2 =	sadd.s32 s19, s18  }
0x9c: {  	s6 =	simm.s32 $0x0;
	s20 =	sshll.u32 s4, $0x1;
	s4 =	sadd.s32 s21, s2  }
0x9d: {  	[timem:s6], [sflag:s22] =	dma.local [hbm:s4], s20  }
0x9e: {  	_ =	swait.ge [sflag:s22], s20  }
0x9f: {  	s3 =	ssub.s32 $0x0, s20;
	[sflag:s22] =	ssyncset.done $0x0  }
0xa0: {  	[sflag:s22] =	ssyncadd.s32 s3;
	_ =	sdelay $0x1  }
0xa1: {  	s23 =	simm.s32 $0x1B8B  }
0xa2: {  	_ =	swait.ge [sflag:s23], $0x1  }
0xa3: {  	[sflag:s23] =	ssyncset.done $0x0  }
0xa4: {  	s25 =	simm.s32 $0x1B8E;
	s24 =	sld [smem:$0x3FFE];
	[sflag:s23] =	ssyncadd.s32 $0xFFFFFFFF  }
0xa5: {  	s26 =	simm.s32 $execute0_lowered;
	[smem:$0x3FD2] =	sst s25  }
0xa6: {  	s4 =	sshll.u32 s26, $0x1;
	_ =	strace $0x80000046;
	[dreg:$0x1] =	wrdreg $0xFFFFFFFF  }
0xa7: {  	s28 =	simm.s32 $_size_execute0_lowered;
	s2 =	sadd.s32 s2, s4;
	[dreg:$0x0] =	wrdreg $0x0  }
0xa8: {  	s4 =	sshll.u32 s28, $0x1;
	[dreg:$0x2] =	wrdreg s2  }
0xa9: {  	[dreg:$0x3] =	wrdreg s4  }
0xaa: {  	[dreg:$0x4] =	wrdreg $0xC0  }
0xab: {  	_ =	task [dreg:s6], $0x5FFFF  }
0xac: {  	[dreg:$0x1] =	wrdreg $0xFFFFFFFF  }
0xad: {  	[dreg:$0x0] =	wrdreg $0x60  }
0xae: {  	[dreg:$0x2] =	wrdreg s24  }
0xaf: {  	[dreg:$0x3] =	wrdreg $0x9  }
0xb0: {  	_ =	task.clear_ibuf [dreg:s6], $0x4FFFF;
	_ =	strace $0x90000046  }
0xb1: {  	s29 =	simm.s32 $0x9;
	_ =	strace $0x80000048  }
0xb2: {  	_ =	swait.ge [sflag:s29], $0x1  }
0xb3: {  	[sflag:s29] =	ssyncadd.s32 $0xFFFFFFFF  }
0xb4: {  	_ =	strace $0x90000048  }
0xb5: {  	_ =	sfence  }
0xb6: {  	s30 =	sld [smem:$0x0];
	_ =	sdelay $0x2  }
0xb7: {  	s31 =	sshll.u32 s1, $0xD;
	s1 =	sshrl.u32 s1, $0x2  }
0xb8: {  	s3 =	sand.u32 $0x4000, s31;
	s1 =	sadd.s32 s1, s30  }
0xb9: {  	s0 =	sor.u32 s3, s0;
	s1 =	sshll.u32 s1, $0x11  }
0xba: {  	s0 =	sor.u32 s1, s0  }
0xbb: {  	s0 =	sadd.s32 $0x8F2B, s0  }
0xbc: {  	[sflag:s0] =	ssyncadd.remote.s32 $0x1  }
0xbd: {  	_ =	sfence.sel $0xFFFF  }
0xbe: {  	[dreg:$0x0] =	wrdreg $0xFFFFFFFF;
	(pc) =	sbr.abs _section_cstart, $3  }
0xbf: {  	[dreg:$0x1] =	wrdreg $0xFFFFFFFF  }
0xc0: {  	_ =	task.clear_ibuf [dreg:s6], $0x2FFFF;
	_ =	strace $0x9FFFFFFF  }
0xc1: {  	(tm) =	ssettm $0x7FFFFFFF  }
tec
execute0_lowered:
.L_overlay_start_1:
0x0: {  	(tag) =	ssettag $0x1  }
0x1: {  	s3 =	rddreg [dreg:$0x0]  }
0x2: {  	s0 =	rddreg [dreg:$0x1]  }
0x3: {  	s4 =	srdreg.scid;
	s1 =	stileid.u32  }
0x4: {  	s2 =	simm.s32 $0x0;
	s12 =	simm.s32 $0x80;
	s13 =	simm.s32 $0x400  }
0x5: {  	s14 =	simm.s32 $0x1400;
	s15 =	simm.s32 $0x2800;
	s16 =	simm.s32 $0x3C00  }
0x6: {  	s17 =	simm.s32 $0x1;
	s18 =	simm.s32 $0x5000;
	s19 =	simm.s32 $0x7800  }
0x7: {  	s20 =	simm.s32 $0xA000;
	s21 =	simm.s32 $0xC800;
	s22 =	simm.s32 $0x200  }
0x8: {  	s23 =	simm.s32 $0x2;
	s4 =	sand.u32 $0x1, s4;
	s5 =	sshll.u32 s1, $0x1  }
0x9: {  	[smem:$0x7FF] =	sst s2;
	s6 =	sshrl.u32 s1, $0x2;
	s8 =	sadd.s32 $0x2400, s3  }
0xa: {  	s5 =	sor.u32 s4, s5;
	s6 =	smul.u32 $0xA000, s6;
	s4 =	ssub.s32 $0x2, s4  }
0xb: {  	s7 =	sshll.u32 s5, $0x7;
	s5 =	smul.u32 $0x1400, s5;
	s9 =	sshrl.u32 s4, $0x1  }
0xc: {  	_ =	strace $0x80000047;
	s7 =	sand.u32 $0x380, s7;
	s11 =	ssub.s32 s4, s9  }
0xd: {  	s6 =	sor.u32 s6, s7;
	s10 =	sadd.s32 s5, s3;
	s11 =	smax.u32 s11, $0x1  }
0xe: {  	s29 =	sshrl.u32 s6, $0x3;
	s30 =	sadd.s32 $0x28000, s6;
	s31 =	sadd.s32 $0x50000, s6  }
0xf: {  	s6 =	sadd.s32 $0x78000, s6;
	s7 =	sadd.s32 $0x16400, s10;
	s9 =	sadd.s32 $0x16420, s10  }
0x10: {  	s3 =	sadd.s32 s8, s29;
	s4 =	sshrl.u32 s30, $0x3;
	s5 =	sshrl.u32 s31, $0x3  }
0x11: {  	s6 =	sshrl.u32 s6, $0x3;
	s4 =	sadd.s32 s8, s4;
	s5 =	sadd.s32 s8, s5  }
0x12: {  	v0 =	vimm.f32 $0.0e+00;
	v1 =	vimm.f32 $1.000000000e+00;
	s6 =	sadd.s32 s8, s6;
	s8 =	sadd.s32 $0x16410, s10;
	s10 =	sadd.s32 $0x16430, s10  }
.LBB2_1:
0x13: {  	s25 =	simm.s32 $0x40;
	s24 =	simm.s32 $0x0  }
.LBB2_2:
0x14: {  	p0 =	sne.s32 s25, $0x9FC0;
	[tilespmem:s24+$0xC800] =	vst v0;
	s26 =	smov.u32 s25;
	s25 =	sadd.s32 $0x40, s25  }
.Ltmp0:
0x15: {  	[tilespmem:s24+$0xA000] =	vst v0;
	(pc) =	sbr.rel @p0 .LBB2_2-.Ltmp0, $3  }
0x16: {  	[tilespmem:s24+$0x5000] =	vst v0  }
0x17: {  	[tilespmem:s24+$0x7800] =	vst v0;
	_ =	sdelay $0x1  }
0x18: {  	s24 =	sshra.s32 s26, $0x2  }
0x19: {  	[tilespmem:s24+$0xC800] =	vst v0  }
0x1a: {  	[tilespmem:s24+$0xA000] =	vst v0  }
0x1b: {  	[tilespmem:s24+$0x5000] =	vst v0  }
0x1c: {  	[tilespmem:s24+$0x7800] =	vst v0;
	s24 =	simm.s32 $0x0  }
0x1d: {  	[tilespmem:s24], [sflag:$0x1] =	stream.strided.gather [hbm4b:s3+s12], $0x1400, s13, s12, $0x38;
	[tilespmem:$0xF000] =	vst v63  }
0x1e: {  	_ = 	snop  }
0x1f: {  	[tilespmem:s14], [sflag:$0x1] =	stream.strided.gather [hbm4b:s4+s12], $0x1400, s13, s12, $0x38;
	[tilespmem:$0xF000] =	vst v63  }
0x20: {  	_ = 	snop  }
0x21: {  	[tilespmem:s15], [sflag:$0x1] =	stream.strided.gather [hbm4b:s5+s12], $0x1400, s13, s12, $0x38;
	[tilespmem:$0xF000] =	vst v63  }
0x22: {  	_ = 	snop  }
0x23: {  	[tilespmem:s16], [sflag:$0x1] =	stream.strided.gather [hbm4b:s6+s12], $0x1400, s13, s12, $0x38;
	[tilespmem:$0xF000] =	vst v63  }
0x24: {  	_ =	swait.ge [sflag:s17], $0x1400  }
0x25: {  	[sflag:s17] =	ssyncset.done $0x0  }
0x26: {  	[sflag:s17] =	ssyncadd.s32 $0xFFFFEC00  }
0x27: {  	_ =	swait.ge [sflag:s17], $0x1400  }
0x28: {  	[sflag:s17] =	ssyncset.done $0x0  }
0x29: {  	[sflag:s17] =	ssyncadd.s32 $0xFFFFEC00  }
0x2a: {  	_ =	swait.ge [sflag:s17], $0x1400  }
0x2b: {  	[sflag:s17] =	ssyncset.done $0x0  }
0x2c: {  	[sflag:s17] =	ssyncadd.s32 $0xFFFFEC00  }
0x2d: {  	_ =	swait.ge [sflag:s17], $0x1400  }
0x2e: {  	[sflag:s17] =	ssyncset.done $0x0  }
0x2f: {  	[sflag:s17] =	ssyncadd.s32 $0xFFFFEC00  }
.LBB2_4:
0x30: {  	s25 =	sshra.s32 s24, $0x2  }
0x31: {  	v2 =	vld [tilespmem:s25+$0x0];
	_ =	sdelay $0x7  }
0x32: {  	[tilespmem:v2+s18+$0x0] =	vst.idx.add.f32.msk $0xffff, v1  }
0x33: {  	v2 =	vld [tilespmem:s25+$0x1400];
	_ =	sdelay $0x7  }
0x34: {  	[tilespmem:v2+s19+$0x0] =	vst.idx.add.f32.msk $0xffff, v1  }
0x35: {  	v2 =	vld [tilespmem:s25+$0x2800];
	_ =	sdelay $0x7  }
0x36: {  	[tilespmem:v2+s20+$0x0] =	vst.idx.add.f32.msk $0xffff, v1  }
0x37: {  	v2 =	vld [tilespmem:s25+$0x3C00];
	_ =	sdelay $0x7  }
0x38: {  	[tilespmem:v2+s21+$0x0] =	vst.idx.add.f32.msk $0xffff, v1  }
0x39: {  	v2 =	vld [tilespmem:s25+$0x10];
	_ =	sdelay $0x7  }
0x3a: {  	[tilespmem:v2+s18+$0x0] =	vst.idx.add.f32.msk $0xffff, v1  }
0x3b: {  	v2 =	vld [tilespmem:s25+$0x1410];
	_ =	sdelay $0x7  }
0x3c: {  	[tilespmem:v2+s19+$0x0] =	vst.idx.add.f32.msk $0xffff, v1  }
0x3d: {  	v2 =	vld [tilespmem:s25+$0x2810];
	_ =	sdelay $0x7  }
0x3e: {  	[tilespmem:v2+s20+$0x0] =	vst.idx.add.f32.msk $0xffff, v1  }
0x3f: {  	v2 =	vld [tilespmem:s25+$0x3C10];
	_ =	sdelay $0x2  }
0x40: {  	p0 =	sne.s32 s24, $0x4F80  }
.Ltmp1:
0x41: {  	_ = 	snop;
	(pc) =	sbr.rel @p0 .LBB2_4-.Ltmp1, $2  }
0x42: {  	_ =	sdelay $0x2  }
0x43: {  	s24 =	sadd.s32 $0x80, s24;
	[tilespmem:v2+s21+$0x0] =	vst.idx.add.f32.msk $0xffff, v1  }
0x44: {  	[bflag:$0x0] =	sbarrier.arrive $0xFFFF  }
0x45: {  	[hbm4b:s7+s12] =	stream.strided.scatter [tilespmem:s18], [sflag:$0x2], $0x2800, s22, s12, $0x38;
	[tilespmem:$0xF000] =	vst v63  }
0x46: {  	_ =	swait.ge [sflag:s23], $0x2800  }
0x47: {  	[sflag:s23] =	ssyncset.done $0x0  }
0x48: {  	[sflag:s23] =	ssyncadd.s32 $0xFFFFD800  }
0x49: {  	[hbm4b:s8+s12] =	stream.strided.scatter [tilespmem:s19], [sflag:$0x2], $0x2800, s22, s12, $0x38;
	[tilespmem:$0xF000] =	vst v63  }
0x4a: {  	_ =	swait.ge [sflag:s23], $0x2800  }
0x4b: {  	[sflag:s23] =	ssyncset.done $0x0  }
0x4c: {  	[sflag:s23] =	ssyncadd.s32 $0xFFFFD800  }
0x4d: {  	[hbm4b:s9+s12] =	stream.strided.scatter [tilespmem:s20], [sflag:$0x2], $0x2800, s22, s12, $0x38;
	[tilespmem:$0xF000] =	vst v63  }
0x4e: {  	s2 =	sadd.s32 $0x1, s2;
	_ =	swait.ge [sflag:s23], $0x2800  }
0x4f: {  	p0 =	sne.s32 s2, s11;
	[sflag:s23] =	ssyncset.done $0x0  }
.Ltmp2:
0x50: {  	[sflag:s23] =	ssyncadd.s32 $0xFFFFD800;
	(pc) =	sbr.rel @p0 .LBB2_1-.Ltmp2, $4  }
0x51: {  	[hbm4b:s10+s12] =	stream.strided.scatter [tilespmem:s21], [sflag:$0x2], $0x2800, s22, s12, $0x38;
	[tilespmem:$0xF000] =	vst v63  }
0x52: {  	_ =	swait.ge [sflag:s23], $0x2800  }
0x53: {  	[sflag:s23] =	ssyncset.done $0x0  }
0x54: {  	[sflag:s23] =	ssyncadd.s32 $0xFFFFD800  }
0x55: {  	_ =	sfence.sel $0x180000  }
0x56: {  	[bflag:$0x0] =	sbarrier.arrive $0xFFFF  }
0x57: {  	p0 =	sne.s32 s1, $0x0;
	_ =	strace $0x90000047  }
0x58: {  	s0 =	sadd.s32 @!p0 $0x100000, s0;
	[bflag:$0x2] =	sbarrier.arrive $0xFFFF  }
0x59: {  	[sflag:s0] =	ssyncadd.tile.s32 @!p0 $0x1;
	_ =	shalt  }
.Lfunc_end2:
_tile_overlayer_lowered:
.L_overlay_start_2:
0x5a: {  	(tag) =	ssettag $0x2  }
0x5b: {  	s0 =	rddreg [dreg:$0x0];
	s2 =	stileid.u32  }
0x5c: {  	s1 =	rddreg [dreg:$0x1];
	p0 =	sne.s32 s2, $0x0  }
0x5d: {  	s3 =	rddreg [dreg:$0x2];
	[bflag:$0x3] =	sbarrier.arrive $0xFFFF;
	s2 =	simm.s32 @!p0 $0x1C02  }
0x5e: {  	[timem:s3], [sflag:s2] =	dma.local @!p0 [hbm:s0], s1  }
0x5f: {  	s0 =	simm.s32 @!p0 $0x2  }
0x60: {  	_ =	swait.ge @!p0 [sflag:s0], s1  }
0x61: {  	s1 =	ssub.s32 @!p0 $0x0, s1;
	[sflag:s0] =	ssyncset.done @!p0 $0x0  }
0x62: {  	[sflag:s0] =	ssyncadd.s32 @!p0 s1  }
0x63: {  	[bflag:$0x3] =	sbarrier.arrive $0xFFFF  }
0x64: {  	_ =	shalt  }

</sc_bundles>
